<compile_context>
chip_gen: v7x
topology: tpu7x:2x2x1
jax: 0.10.2.dev20260603
libtpu: 0.0.44.dev20260713+nightly
codegen_flags: <defaults>
</compile_context>

<pallas_src>
import functools

import jax
import jax.numpy as jnp
from jax import lax
from jax.experimental import pallas as pl
from jax.experimental.pallas import tpu as pltpu
from jax.experimental.pallas import tpu_sc as plsc

_INFO = plsc.get_sparse_core_info()
_NC = _INFO.num_cores
_NS = _INFO.num_subcores
_NW = _NC * _NS

_CHUNK = 16
_NBUF = 8
_LEAD = 4


def _gather_rows(B, D):
    b_per_w = B // _NW
    n = b_per_w // _CHUNK
    assert n % _NBUF == 0 and n >= _NBUF + _LEAD
    mesh = plsc.VectorSubcoreMesh(core_axis_name="c", subcore_axis_name="s")

    @functools.partial(
        pl.kernel,
        out_type=jax.ShapeDtypeStruct((B, D), jnp.float32),
        mesh=mesh,
        scratch_types=[
            pltpu.VMEM((b_per_w,), jnp.int32),
            pltpu.VMEM((_NBUF, _CHUNK, D), jnp.float32),
        ]
        + [pltpu.SemaphoreType.DMA] * (2 * _NBUF),
    )
    def run(W_hbm, idx_hbm, out_hbm, idx_v, rows_v, *sems):
        gsem, wsem = sems[:_NBUF], sems[_NBUF:]
        wid = lax.axis_index("s") * _NC + lax.axis_index("c")
        base = wid * b_per_w
        w_per_row = idx_hbm.shape[1] // b_per_w
        pltpu.sync_copy(
            idx_hbm.at[wid // w_per_row,
                       pl.ds((wid % w_per_row) * b_per_w, b_per_w)],
            idx_v,
        )

        def start_gather(c, b):
            pltpu.async_copy(
                W_hbm.at[idx_v.at[pl.ds(c * _CHUNK, _CHUNK)]],
                rows_v.at[b], gsem[b],
            )

        def wait_gather(b):
            pltpu.make_async_copy(
                W_hbm.at[pl.ds(0, _CHUNK)], rows_v.at[b], gsem[b]
            ).wait()

        def start_write(c, b):
            pltpu.async_copy(
                rows_v.at[b], out_hbm.at[pl.ds(base + c * _CHUNK, _CHUNK)],
                wsem[b],
            )

        def wait_write(b):
            pltpu.make_async_copy(
                rows_v.at[b], out_hbm.at[pl.ds(base, _CHUNK)], wsem[b]
            ).wait()

        for c in range(_LEAD):
            start_gather(c, c % _NBUF)

        for j in range(_NBUF):
            wait_gather(j)
            start_write(j, j)
            c3, b3 = j + _LEAD, (j + _LEAD) % _NBUF
            if c3 >= _NBUF:
                wait_write(b3)
            start_gather(c3, b3)

        @pl.loop(_NBUF, n, step=_NBUF)
        def _(i):
            for j in range(_NBUF):
                c = i + j
                wait_gather(j)
                start_write(c, j)
                c3, b3 = c + _LEAD, (j + _LEAD) % _NBUF

                @pl.when(c3 < n)
                def _():
                    wait_write(b3)
                    start_gather(c3, b3)

        for b in range(_NBUF):
            wait_write(b)

    return run


@jax.jit
def kernel(t, W):
    B = t.shape[0] * t.shape[1]
    D = W.shape[1]
    out = _gather_rows(B, D)(W, t.astype(jnp.int32))
    return out.reshape(t.shape[0], t.shape[1], D)

# --- scband reference (transcript-rebuilt; emitter-appended) ---
"""Pipeline reference for scband-positional-encoding-71476845740533 (READ-ONLY COPY).

The authoritative reference and input builder live on the scoring server;
editing this copy changes nothing except your own understanding.
"""

import jax, jax.numpy as jnp
import numpy as np

MAX_SEQ_LEN = 8192
D_MODEL = 768

def setup_inputs(seed: int = 0) -> dict:
    key = jax.random.key(seed)
    k_t, k_w = jax.random.split(key)
    t = jax.random.randint(k_t, (4, 8192), 0, MAX_SEQ_LEN, dtype=jnp.int64 if jax.config.jax_enable_x64 else jnp.int32)
    # xavier_normal_ init: std = sqrt(2 / (fan_in + fan_out))
    std = float(np.sqrt(2.0 / (MAX_SEQ_LEN + D_MODEL)))
    W = jax.random.normal(k_w, (MAX_SEQ_LEN, D_MODEL), dtype=jnp.float32) * std
    return {"t": t, "W": W}

def reference(t, W):
    # nn.Embedding lookup: out[b, s, :] = W[t[b, s], :]
    return jnp.take(W, t, axis=0)

if __name__ == "__main__":
    import jax
    _d = setup_inputs()
    print(jax.jit(kernel)(*tuple(_d.values())))

</pallas_src>

<mosaic_0001>
#map = affine_map<(d0, d1) -> (0, 0)>
module attributes {stable_mosaic.version = 14 : i64} {
  func.func @run(%arg0: i32, %arg1: i32, %arg2: memref<8192x768xf32, #tpu.memory_space<hbm>>, %arg3: memref<4x8192xi32, #tpu.memory_space<hbm>>, %arg4: memref<32768x768xf32, #tpu.memory_space<hbm>>, %arg5: memref<1024xi32, #tpu.memory_space<vmem>>, %arg6: memref<8x16x768xf32, #tpu.memory_space<vmem>>, %arg7: memref<!tpu.dma_semaphore, #tpu.memory_space<semaphore_mem>>, %arg8: memref<!tpu.dma_semaphore, #tpu.memory_space<semaphore_mem>>, %arg9: memref<!tpu.dma_semaphore, #tpu.memory_space<semaphore_mem>>, %arg10: memref<!tpu.dma_semaphore, #tpu.memory_space<semaphore_mem>>, %arg11: memref<!tpu.dma_semaphore, #tpu.memory_space<semaphore_mem>>, %arg12: memref<!tpu.dma_semaphore, #tpu.memory_space<semaphore_mem>>, %arg13: memref<!tpu.dma_semaphore, #tpu.memory_space<semaphore_mem>>, %arg14: memref<!tpu.dma_semaphore, #tpu.memory_space<semaphore_mem>>, %arg15: memref<!tpu.dma_semaphore, #tpu.memory_space<semaphore_mem>>, %arg16: memref<!tpu.dma_semaphore, #tpu.memory_space<semaphore_mem>>, %arg17: memref<!tpu.dma_semaphore, #tpu.memory_space<semaphore_mem>>, %arg18: memref<!tpu.dma_semaphore, #tpu.memory_space<semaphore_mem>>, %arg19: memref<!tpu.dma_semaphore, #tpu.memory_space<semaphore_mem>>, %arg20: memref<!tpu.dma_semaphore, #tpu.memory_space<semaphore_mem>>, %arg21: memref<!tpu.dma_semaphore, #tpu.memory_space<semaphore_mem>>, %arg22: memref<!tpu.dma_semaphore, #tpu.memory_space<semaphore_mem>>) attributes {dimension_semantics = [#tpu.dimension_semantics<core_parallel>, #tpu.dimension_semantics<subcore_parallel>], iteration_bounds = array<i64: 2, 16>, scalar_prefetch = 0 : i64, scratch_operands = 18 : i64, tpu.core_type = #tpu.core_type<sc_vector_subcore>, window_params = [{transform_indices = #map}, {transform_indices = #map}, {transform_indices = #map}]} {
    %mul3A = arith.constant 2 : i32
    %mul3A_0 = arith.muli %arg1, %mul3A : i32
    %add3A = arith.addi %mul3A_0, %arg0 : i32
    %mul3A_1 = arith.constant 1024 : i32
    %mul3A_2 = arith.muli %add3A, %mul3A_1 : i32
    %jit3A = arith.constant 8 : i32
    %div3A = arith.divsi %add3A, %jit3A : i32
    %sign3A = arith.constant 0 : i32
    %sign3A_3 = arith.cmpi sgt, %add3A, %sign3A : i32
    %sign3A_4 = arith.extui %sign3A_3 : i1 to i32
    %sign3A_5 = arith.constant 0 : i32
    %sign3A_6 = arith.cmpi slt, %add3A, %sign3A_5 : i32
    %sign3A_7 = arith.extui %sign3A_6 : i1 to i32
    %sign3A_8 = arith.subi %sign3A_4, %sign3A_7 : i32
    %sign3A_9 = arith.constant 0 : i32
    %sign3A_10 = arith.cmpi sgt, %jit3A, %sign3A_9 : i32
    %sign3A_11 = arith.extui %sign3A_10 : i1 to i32
    %sign3A_12 = arith.constant 0 : i32
    %sign3A_13 = arith.cmpi slt, %jit3A, %sign3A_12 : i32
    %sign3A_14 = arith.extui %sign3A_13 : i1 to i32
    %sign3A_15 = arith.subi %sign3A_11, %sign3A_14 : i32
    %ne3A = arith.cmpi ne, %sign3A_8, %sign3A_15 : i32
    %rem3A = arith.remsi %add3A, %jit3A : i32
    %ne3A_16 = arith.constant 0 : i32
    %ne3A_17 = arith.cmpi ne, %rem3A, %ne3A_16 : i32
    %and3A = arith.andi %ne3A, %ne3A_17 : i1
    %sub3A = arith.constant 1 : i32
    %sub3A_18 = arith.subi %div3A, %sub3A : i32
    %select_n3A = arith.select %and3A, %sub3A_18, %div3A : i32
    %jit3A_19 = arith.constant 8 : i32
    %eq3A = arith.constant 0 : i32
    %eq3A_20 = arith.cmpi eq, %jit3A_19, %eq3A : i32
    %jit3A_21 = arith.constant 1 : i32
    %select_n3A_22 = arith.select %eq3A_20, %jit3A_21, %jit3A_19 : i32
    %rem3A_23 = arith.remsi %add3A, %select_n3A_22 : i32
    %ne3A_24 = arith.constant 0 : i32
    %ne3A_25 = arith.cmpi ne, %rem3A_23, %ne3A_24 : i32
    %lt3A = arith.constant 0 : i32
    %lt3A_26 = arith.cmpi slt, %rem3A_23, %lt3A : i32
    %lt3A_27 = arith.constant 0 : i32
    %lt3A_28 = arith.cmpi slt, %select_n3A_22, %lt3A_27 : i32
    %ne3A_29 = arith.xori %lt3A_26, %lt3A_28 : i1
    %and3A_30 = arith.andi %ne3A_29, %ne3A_25 : i1
    %add3A_31 = arith.addi %rem3A_23, %select_n3A_22 : i32
    %select_n3A_32 = arith.select %and3A_30, %add3A_31, %rem3A_23 : i32
    %mul3A_33 = arith.constant 1024 : i32
    %mul3A_34 = arith.muli %select_n3A_32, %mul3A_33 : i32
    "tpu.region"() ({
      %run_scoped3A = tpu.sem_alloc : memref<!tpu.dma_semaphore, #tpu.memory_space<semaphore_mem>>
      %dma_start3A_553 = tpu.memref_slice %arg3[%select_n3A, %mul3A_34] : memref<4x8192xi32, #tpu.memory_space<hbm>> -> memref<1x1024xi32, #tpu.memory_space<hbm>>
      %dma_start3A_554 = tpu.memref_squeeze %dma_start3A_553 : memref<1x1024xi32, #tpu.memory_space<hbm>> -> memref<1024xi32, #tpu.memory_space<hbm>>
      %dma_start3A_555 = tpu.memref_slice %arg3[%select_n3A, %mul3A_34] : memref<4x8192xi32, #tpu.memory_space<hbm>> -> memref<1x1024xi32, #tpu.memory_space<hbm>>
      %dma_start3A_556 = tpu.memref_squeeze %dma_start3A_555 : memref<1x1024xi32, #tpu.memory_space<hbm>> -> memref<1024xi32, #tpu.memory_space<hbm>>
      tpu.enqueue_dma source(%dma_start3A_556 : memref<1024xi32, #tpu.memory_space<hbm>>) target(%arg5 : memref<1024xi32, #tpu.memory_space<vmem>>) target_semaphore(%run_scoped3A : memref<!tpu.dma_semaphore, #tpu.memory_space<semaphore_mem>>)
      %dma_wait3A_557 = tpu.memref_slice %arg3[%select_n3A, %mul3A_34] : memref<4x8192xi32, #tpu.memory_space<hbm>> -> memref<1x1024xi32, #tpu.memory_space<hbm>>
      %dma_wait3A_558 = tpu.memref_squeeze %dma_wait3A_557 : memref<1x1024xi32, #tpu.memory_space<hbm>> -> memref<1024xi32, #tpu.memory_space<hbm>>
      %dma_wait3A_559 = tpu.memref_slice %arg3[%select_n3A, %mul3A_34] : memref<4x8192xi32, #tpu.memory_space<hbm>> -> memref<1x1024xi32, #tpu.memory_space<hbm>>
      %dma_wait3A_560 = tpu.memref_squeeze %dma_wait3A_559 : memref<1x1024xi32, #tpu.memory_space<hbm>> -> memref<1024xi32, #tpu.memory_space<hbm>>
      tpu.wait_dma2 semaphore(%run_scoped3A : memref<!tpu.dma_semaphore, #tpu.memory_space<semaphore_mem>>) src(%dma_wait3A_560 : memref<1024xi32, #tpu.memory_space<hbm>>) dst(%arg5 : memref<1024xi32, #tpu.memory_space<vmem>>)
      tpu.yield
    }) : () -> ()
    %dma_start3A = arith.constant 0 : i32
    %dma_start3A_35 = arith.constant 0 : i32
    %dma_start3A_36 = arith.constant 0 : i32
    %dma_start3A_37 = tpu.memref_slice %arg6[%dma_start3A, %dma_start3A_35, %dma_start3A_36] : memref<8x16x768xf32, #tpu.memory_space<vmem>> -> memref<1x16x768xf32, #tpu.memory_space<vmem>>
    %dma_start3A_38 = tpu.memref_squeeze %dma_start3A_37 : memref<1x16x768xf32, #tpu.memory_space<vmem>> -> memref<16x768xf32, #tpu.memory_space<vmem>>
    %dma_start3A_39 = arith.constant 0 : i32
    %dma_start3A_40 = tpu.memref_slice %arg5[%dma_start3A_39] : memref<1024xi32, #tpu.memory_space<vmem>> -> memref<16xi32, #tpu.memory_space<vmem>>
    %dma_start3A_41 = arith.constant 0 : i32
    %dma_start3A_42 = arith.constant 0 : i32
    %dma_start3A_43 = tpu.memref_slice %arg2[%dma_start3A_41, %dma_start3A_42] : memref<8192x768xf32, #tpu.memory_space<hbm>> -> memref<8192x768xf32, #tpu.memory_space<hbm>>
    tpu.enqueue_indirect_dma source(%dma_start3A_43 : memref<8192x768xf32, #tpu.memory_space<hbm>>) target(%dma_start3A_38 : memref<16x768xf32, #tpu.memory_space<vmem>>) offsets(%dma_start3A_40 : memref<16xi32, #tpu.memory_space<vmem>>) semaphore(%arg7 : memref<!tpu.dma_semaphore, #tpu.memory_space<semaphore_mem>>)
    %dma_start3A_44 = arith.constant 1 : i32
    %dma_start3A_45 = arith.constant 0 : i32
    %dma_start3A_46 = arith.constant 0 : i32
    %dma_start3A_47 = tpu.memref_slice %arg6[%dma_start3A_44, %dma_start3A_45, %dma_start3A_46] : memref<8x16x768xf32, #tpu.memory_space<vmem>> -> memref<1x16x768xf32, #tpu.memory_space<vmem>>
    %dma_start3A_48 = tpu.memref_squeeze %dma_start3A_47 : memref<1x16x768xf32, #tpu.memory_space<vmem>> -> memref<16x768xf32, #tpu.memory_space<vmem>>
    %dma_start3A_49 = arith.constant 16 : i32
    %dma_start3A_50 = tpu.memref_slice %arg5[%dma_start3A_49] : memref<1024xi32, #tpu.memory_space<vmem>> -> memref<16xi32, #tpu.memory_space<vmem>>
    %dma_start3A_51 = arith.constant 0 : i32
    %dma_start3A_52 = arith.constant 0 : i32
    %dma_start3A_53 = tpu.memref_slice %arg2[%dma_start3A_51, %dma_start3A_52] : memref<8192x768xf32, #tpu.memory_space<hbm>> -> memref<8192x768xf32, #tpu.memory_space<hbm>>
    tpu.enqueue_indirect_dma source(%dma_start3A_53 : memref<8192x768xf32, #tpu.memory_space<hbm>>) target(%dma_start3A_48 : memref<16x768xf32, #tpu.memory_space<vmem>>) offsets(%dma_start3A_50 : memref<16xi32, #tpu.memory_space<vmem>>) semaphore(%arg8 : memref<!tpu.dma_semaphore, #tpu.memory_space<semaphore_mem>>)
    %dma_start3A_54 = arith.constant 2 : i32
    %dma_start3A_55 = arith.constant 0 : i32
    %dma_start3A_56 = arith.constant 0 : i32
    %dma_start3A_57 = tpu.memref_slice %arg6[%dma_start3A_54, %dma_start3A_55, %dma_start3A_56] : memref<8x16x768xf32, #tpu.memory_space<vmem>> -> memref<1x16x768xf32, #tpu.memory_space<vmem>>
    %dma_start3A_58 = tpu.memref_squeeze %dma_start3A_57 : memref<1x16x768xf32, #tpu.memory_space<vmem>> -> memref<16x768xf32, #tpu.memory_space<vmem>>
    %dma_start3A_59 = arith.constant 32 : i32
    %dma_start3A_60 = tpu.memref_slice %arg5[%dma_start3A_59] : memref<1024xi32, #tpu.memory_space<vmem>> -> memref<16xi32, #tpu.memory_space<vmem>>
    %dma_start3A_61 = arith.constant 0 : i32
    %dma_start3A_62 = arith.constant 0 : i32
    %dma_start3A_63 = tpu.memref_slice %arg2[%dma_start3A_61, %dma_start3A_62] : memref<8192x768xf32, #tpu.memory_space<hbm>> -> memref<8192x768xf32, #tpu.memory_space<hbm>>
    tpu.enqueue_indirect_dma source(%dma_start3A_63 : memref<8192x768xf32, #tpu.memory_space<hbm>>) target(%dma_start3A_58 : memref<16x768xf32, #tpu.memory_space<vmem>>) offsets(%dma_start3A_60 : memref<16xi32, #tpu.memory_space<vmem>>) semaphore(%arg9 : memref<!tpu.dma_semaphore, #tpu.memory_space<semaphore_mem>>)
    %dma_start3A_64 = arith.constant 3 : i32
    %dma_start3A_65 = arith.constant 0 : i32
    %dma_start3A_66 = arith.constant 0 : i32
    %dma_start3A_67 = tpu.memref_slice %arg6[%dma_start3A_64, %dma_start3A_65, %dma_start3A_66] : memref<8x16x768xf32, #tpu.memory_space<vmem>> -> memref<1x16x768xf32, #tpu.memory_space<vmem>>
    %dma_start3A_68 = tpu.memref_squeeze %dma_start3A_67 : memref<1x16x768xf32, #tpu.memory_space<vmem>> -> memref<16x768xf32, #tpu.memory_space<vmem>>
    %dma_start3A_69 = arith.constant 48 : i32
    %dma_start3A_70 = tpu.memref_slice %arg5[%dma_start3A_69] : memref<1024xi32, #tpu.memory_space<vmem>> -> memref<16xi32, #tpu.memory_space<vmem>>
    %dma_start3A_71 = arith.constant 0 : i32
    %dma_start3A_72 = arith.constant 0 : i32
    %dma_start3A_73 = tpu.memref_slice %arg2[%dma_start3A_71, %dma_start3A_72] : memref<8192x768xf32, #tpu.memory_space<hbm>> -> memref<8192x768xf32, #tpu.memory_space<hbm>>
    tpu.enqueue_indirect_dma source(%dma_start3A_73 : memref<8192x768xf32, #tpu.memory_space<hbm>>) target(%dma_start3A_68 : memref<16x768xf32, #tpu.memory_space<vmem>>) offsets(%dma_start3A_70 : memref<16xi32, #tpu.memory_space<vmem>>) semaphore(%arg10 : memref<!tpu.dma_semaphore, #tpu.memory_space<semaphore_mem>>)
    %dma_wait3A = arith.constant 0 : i32
    %dma_wait3A_74 = arith.constant 0 : i32
    %dma_wait3A_75 = arith.constant 0 : i32
    %dma_wait3A_76 = tpu.memref_slice %arg6[%dma_wait3A, %dma_wait3A_74, %dma_wait3A_75] : memref<8x16x768xf32, #tpu.memory_space<vmem>> -> memref<1x16x768xf32, #tpu.memory_space<vmem>>
    %dma_wait3A_77 = tpu.memref_squeeze %dma_wait3A_76 : memref<1x16x768xf32, #tpu.memory_space<vmem>> -> memref<16x768xf32, #tpu.memory_space<vmem>>
    %dma_wait3A_78 = arith.constant 0 : i32
    %dma_wait3A_79 = arith.constant 0 : i32
    %dma_wait3A_80 = tpu.memref_slice %arg2[%dma_wait3A_78, %dma_wait3A_79] : memref<8192x768xf32, #tpu.memory_space<hbm>> -> memref<16x768xf32, #tpu.memory_space<hbm>>
    %dma_wait3A_81 = arith.constant 0 : i32
    %dma_wait3A_82 = arith.constant 0 : i32
    %dma_wait3A_83 = tpu.memref_slice %arg6[%dma_wait3A, %dma_wait3A_81, %dma_wait3A_82] : memref<8x16x768xf32, #tpu.memory_space<vmem>> -> memref<1x16x768xf32, #tpu.memory_space<vmem>>
    %dma_wait3A_84 = tpu.memref_squeeze %dma_wait3A_83 : memref<1x16x768xf32, #tpu.memory_space<vmem>> -> memref<16x768xf32, #tpu.memory_space<vmem>>
    %dma_wait3A_85 = arith.constant 0 : i32
    %dma_wait3A_86 = arith.constant 0 : i32
    %dma_wait3A_87 = tpu.memref_slice %arg2[%dma_wait3A_85, %dma_wait3A_86] : memref<8192x768xf32, #tpu.memory_space<hbm>> -> memref<16x768xf32, #tpu.memory_space<hbm>>
    tpu.wait_dma2 semaphore(%arg7 : memref<!tpu.dma_semaphore, #tpu.memory_space<semaphore_mem>>) src(%dma_wait3A_87 : memref<16x768xf32, #tpu.memory_space<hbm>>) dst(%dma_wait3A_84 : memref<16x768xf32, #tpu.memory_space<vmem>>)
    %add3A_88 = arith.constant 0 : i32
    %add3A_89 = arith.addi %mul3A_2, %add3A_88 : i32
    %dma_start3A_90 = arith.constant 0 : i32
    %dma_start3A_91 = arith.constant 0 : i32
    %dma_start3A_92 = arith.constant 0 : i32
    %dma_start3A_93 = tpu.memref_slice %arg6[%dma_start3A_90, %dma_start3A_91, %dma_start3A_92] : memref<8x16x768xf32, #tpu.memory_space<vmem>> -> memref<1x16x768xf32, #tpu.memory_space<vmem>>
    %dma_start3A_94 = tpu.memref_squeeze %dma_start3A_93 : memref<1x16x768xf32, #tpu.memory_space<vmem>> -> memref<16x768xf32, #tpu.memory_space<vmem>>
    %dma_start3A_95 = arith.constant 0 : i32
    %dma_start3A_96 = tpu.memref_slice %arg4[%add3A_89, %dma_start3A_95] : memref<32768x768xf32, #tpu.memory_space<hbm>> -> memref<16x768xf32, #tpu.memory_space<hbm>>
    %dma_start3A_97 = arith.constant 0 : i32
    %dma_start3A_98 = tpu.memref_slice %arg4[%add3A_89, %dma_start3A_97] : memref<32768x768xf32, #tpu.memory_space<hbm>> -> memref<16x768xf32, #tpu.memory_space<hbm>>
    %dma_start3A_99 = arith.constant 0 : i32
    %dma_start3A_100 = arith.constant 0 : i32
    %dma_start3A_101 = tpu.memref_slice %arg6[%dma_start3A_90, %dma_start3A_99, %dma_start3A_100] : memref<8x16x768xf32, #tpu.memory_space<vmem>> -> memref<1x16x768xf32, #tpu.memory_space<vmem>>
    %dma_start3A_102 = tpu.memref_squeeze %dma_start3A_101 : memref<1x16x768xf32, #tpu.memory_space<vmem>> -> memref<16x768xf32, #tpu.memory_space<vmem>>
    tpu.enqueue_dma source(%dma_start3A_102 : memref<16x768xf32, #tpu.memory_space<vmem>>) target(%dma_start3A_98 : memref<16x768xf32, #tpu.memory_space<hbm>>) target_semaphore(%arg15 : memref<!tpu.dma_semaphore, #tpu.memory_space<semaphore_mem>>)
    %dma_start3A_103 = arith.constant 4 : i32
    %dma_start3A_104 = arith.constant 0 : i32
    %dma_start3A_105 = arith.constant 0 : i32
    %dma_start3A_106 = tpu.memref_slice %arg6[%dma_start3A_103, %dma_start3A_104, %dma_start3A_105] : memref<8x16x768xf32, #tpu.memory_space<vmem>> -> memref<1x16x768xf32, #tpu.memory_space<vmem>>
    %dma_start3A_107 = tpu.memref_squeeze %dma_start3A_106 : memref<1x16x768xf32, #tpu.memory_space<vmem>> -> memref<16x768xf32, #tpu.memory_space<vmem>>
    %dma_start3A_108 = arith.constant 64 : i32
    %dma_start3A_109 = tpu.memref_slice %arg5[%dma_start3A_108] : memref<1024xi32, #tpu.memory_space<vmem>> -> memref<16xi32, #tpu.memory_space<vmem>>
    %dma_start3A_110 = arith.constant 0 : i32
    %dma_start3A_111 = arith.constant 0 : i32
    %dma_start3A_112 = tpu.memref_slice %arg2[%dma_start3A_110, %dma_start3A_111] : memref<8192x768xf32, #tpu.memory_space<hbm>> -> memref<8192x768xf32, #tpu.memory_space<hbm>>
    tpu.enqueue_indirect_dma source(%dma_start3A_112 : memref<8192x768xf32, #tpu.memory_space<hbm>>) target(%dma_start3A_107 : memref<16x768xf32, #tpu.memory_space<vmem>>) offsets(%dma_start3A_109 : memref<16xi32, #tpu.memory_space<vmem>>) semaphore(%arg11 : memref<!tpu.dma_semaphore, #tpu.memory_space<semaphore_mem>>)
    %dma_wait3A_113 = arith.constant 1 : i32
    %dma_wait3A_114 = arith.constant 0 : i32
    %dma_wait3A_115 = arith.constant 0 : i32
    %dma_wait3A_116 = tpu.memref_slice %arg6[%dma_wait3A_113, %dma_wait3A_114, %dma_wait3A_115] : memref<8x16x768xf32, #tpu.memory_space<vmem>> -> memref<1x16x768xf32, #tpu.memory_space<vmem>>
    %dma_wait3A_117 = tpu.memref_squeeze %dma_wait3A_116 : memref<1x16x768xf32, #tpu.memory_space<vmem>> -> memref<16x768xf32, #tpu.memory_space<vmem>>
    %dma_wait3A_118 = arith.constant 0 : i32
    %dma_wait3A_119 = arith.constant 0 : i32
    %dma_wait3A_120 = tpu.memref_slice %arg2[%dma_wait3A_118, %dma_wait3A_119] : memref<8192x768xf32, #tpu.memory_space<hbm>> -> memref<16x768xf32, #tpu.memory_space<hbm>>
    %dma_wait3A_121 = arith.constant 0 : i32
    %dma_wait3A_122 = arith.constant 0 : i32
    %dma_wait3A_123 = tpu.memref_slice %arg6[%dma_wait3A_113, %dma_wait3A_121, %dma_wait3A_122] : memref<8x16x768xf32, #tpu.memory_space<vmem>> -> memref<1x16x768xf32, #tpu.memory_space<vmem>>
    %dma_wait3A_124 = tpu.memref_squeeze %dma_wait3A_123 : memref<1x16x768xf32, #tpu.memory_space<vmem>> -> memref<16x768xf32, #tpu.memory_space<vmem>>
    %dma_wait3A_125 = arith.constant 0 : i32
    %dma_wait3A_126 = arith.constant 0 : i32
    %dma_wait3A_127 = tpu.memref_slice %arg2[%dma_wait3A_125, %dma_wait3A_126] : memref<8192x768xf32, #tpu.memory_space<hbm>> -> memref<16x768xf32, #tpu.memory_space<hbm>>
    tpu.wait_dma2 semaphore(%arg8 : memref<!tpu.dma_semaphore, #tpu.memory_space<semaphore_mem>>) src(%dma_wait3A_127 : memref<16x768xf32, #tpu.memory_space<hbm>>) dst(%dma_wait3A_124 : memref<16x768xf32, #tpu.memory_space<vmem>>)
    %add3A_128 = arith.constant 16 : i32
    %add3A_129 = arith.addi %mul3A_2, %add3A_128 : i32
    %dma_start3A_130 = arith.constant 1 : i32
    %dma_start3A_131 = arith.constant 0 : i32
    %dma_start3A_132 = arith.constant 0 : i32
    %dma_start3A_133 = tpu.memref_slice %arg6[%dma_start3A_130, %dma_start3A_131, %dma_start3A_132] : memref<8x16x768xf32, #tpu.memory_space<vmem>> -> memref<1x16x768xf32, #tpu.memory_space<vmem>>
    %dma_start3A_134 = tpu.memref_squeeze %dma_start3A_133 : memref<1x16x768xf32, #tpu.memory_space<vmem>> -> memref<16x768xf32, #tpu.memory_space<vmem>>
    %dma_start3A_135 = arith.constant 0 : i32
    %dma_start3A_136 = tpu.memref_slice %arg4[%add3A_129, %dma_start3A_135] : memref<32768x768xf32, #tpu.memory_space<hbm>> -> memref<16x768xf32, #tpu.memory_space<hbm>>
    %dma_start3A_137 = arith.constant 0 : i32
    %dma_start3A_138 = tpu.memref_slice %arg4[%add3A_129, %dma_start3A_137] : memref<32768x768xf32, #tpu.memory_space<hbm>> -> memref<16x768xf32, #tpu.memory_space<hbm>>
    %dma_start3A_139 = arith.constant 0 : i32
    %dma_start3A_140 = arith.constant 0 : i32
    %dma_start3A_141 = tpu.memref_slice %arg6[%dma_start3A_130, %dma_start3A_139, %dma_start3A_140] : memref<8x16x768xf32, #tpu.memory_space<vmem>> -> memref<1x16x768xf32, #tpu.memory_space<vmem>>
    %dma_start3A_142 = tpu.memref_squeeze %dma_start3A_141 : memref<1x16x768xf32, #tpu.memory_space<vmem>> -> memref<16x768xf32, #tpu.memory_space<vmem>>
    tpu.enqueue_dma source(%dma_start3A_142 : memref<16x768xf32, #tpu.memory_space<vmem>>) target(%dma_start3A_138 : memref<16x768xf32, #tpu.memory_space<hbm>>) target_semaphore(%arg16 : memref<!tpu.dma_semaphore, #tpu.memory_space<semaphore_mem>>)
    %dma_start3A_143 = arith.constant 5 : i32
    %dma_start3A_144 = arith.constant 0 : i32
    %dma_start3A_145 = arith.constant 0 : i32
    %dma_start3A_146 = tpu.memref_slice %arg6[%dma_start3A_143, %dma_start3A_144, %dma_start3A_145] : memref<8x16x768xf32, #tpu.memory_space<vmem>> -> memref<1x16x768xf32, #tpu.memory_space<vmem>>
    %dma_start3A_147 = tpu.memref_squeeze %dma_start3A_146 : memref<1x16x768xf32, #tpu.memory_space<vmem>> -> memref<16x768xf32, #tpu.memory_space<vmem>>
    %dma_start3A_148 = arith.constant 80 : i32
    %dma_start3A_149 = tpu.memref_slice %arg5[%dma_start3A_148] : memref<1024xi32, #tpu.memory_space<vmem>> -> memref<16xi32, #tpu.memory_space<vmem>>
    %dma_start3A_150 = arith.constant 0 : i32
    %dma_start3A_151 = arith.constant 0 : i32
    %dma_start3A_152 = tpu.memref_slice %arg2[%dma_start3A_150, %dma_start3A_151] : memref<8192x768xf32, #tpu.memory_space<hbm>> -> memref<8192x768xf32, #tpu.memory_space<hbm>>
    tpu.enqueue_indirect_dma source(%dma_start3A_152 : memref<8192x768xf32, #tpu.memory_space<hbm>>) target(%dma_start3A_147 : memref<16x768xf32, #tpu.memory_space<vmem>>) offsets(%dma_start3A_149 : memref<16xi32, #tpu.memory_space<vmem>>) semaphore(%arg12 : memref<!tpu.dma_semaphore, #tpu.memory_space<semaphore_mem>>)
    %dma_wait3A_153 = arith.constant 2 : i32
    %dma_wait3A_154 = arith.constant 0 : i32
    %dma_wait3A_155 = arith.constant 0 : i32
    %dma_wait3A_156 = tpu.memref_slice %arg6[%dma_wait3A_153, %dma_wait3A_154, %dma_wait3A_155] : memref<8x16x768xf32, #tpu.memory_space<vmem>> -> memref<1x16x768xf32, #tpu.memory_space<vmem>>
    %dma_wait3A_157 = tpu.memref_squeeze %dma_wait3A_156 : memref<1x16x768xf32, #tpu.memory_space<vmem>> -> memref<16x768xf32, #tpu.memory_space<vmem>>
    %dma_wait3A_158 = arith.constant 0 : i32
    %dma_wait3A_159 = arith.constant 0 : i32
    %dma_wait3A_160 = tpu.memref_slice %arg2[%dma_wait3A_158, %dma_wait3A_159] : memref<8192x768xf32, #tpu.memory_space<hbm>> -> memref<16x768xf32, #tpu.memory_space<hbm>>
    %dma_wait3A_161 = arith.constant 0 : i32
    %dma_wait3A_162 = arith.constant 0 : i32
    %dma_wait3A_163 = tpu.memref_slice %arg6[%dma_wait3A_153, %dma_wait3A_161, %dma_wait3A_162] : memref<8x16x768xf32, #tpu.memory_space<vmem>> -> memref<1x16x768xf32, #tpu.memory_space<vmem>>
    %dma_wait3A_164 = tpu.memref_squeeze %dma_wait3A_163 : memref<1x16x768xf32, #tpu.memory_space<vmem>> -> memref<16x768xf32, #tpu.memory_space<vmem>>
    %dma_wait3A_165 = arith.constant 0 : i32
    %dma_wait3A_166 = arith.constant 0 : i32
    %dma_wait3A_167 = tpu.memref_slice %arg2[%dma_wait3A_165, %dma_wait3A_166] : memref<8192x768xf32, #tpu.memory_space<hbm>> -> memref<16x768xf32, #tpu.memory_space<hbm>>
    tpu.wait_dma2 semaphore(%arg9 : memref<!tpu.dma_semaphore, #tpu.memory_space<semaphore_mem>>) src(%dma_wait3A_167 : memref<16x768xf32, #tpu.memory_space<hbm>>) dst(%dma_wait3A_164 : memref<16x768xf32, #tpu.memory_space<vmem>>)
    %add3A_168 = arith.constant 32 : i32
    %add3A_169 = arith.addi %mul3A_2, %add3A_168 : i32
    %dma_start3A_170 = arith.constant 2 : i32
    %dma_start3A_171 = arith.constant 0 : i32
    %dma_start3A_172 = arith.constant 0 : i32
    %dma_start3A_173 = tpu.memref_slice %arg6[%dma_start3A_170, %dma_start3A_171, %dma_start3A_172] : memref<8x16x768xf32, #tpu.memory_space<vmem>> -> memref<1x16x768xf32, #tpu.memory_space<vmem>>
    %dma_start3A_174 = tpu.memref_squeeze %dma_start3A_173 : memref<1x16x768xf32, #tpu.memory_space<vmem>> -> memref<16x768xf32, #tpu.memory_space<vmem>>
    %dma_start3A_175 = arith.constant 0 : i32
    %dma_start3A_176 = tpu.memref_slice %arg4[%add3A_169, %dma_start3A_175] : memref<32768x768xf32, #tpu.memory_space<hbm>> -> memref<16x768xf32, #tpu.memory_space<hbm>>
    %dma_start3A_177 = arith.constant 0 : i32
    %dma_start3A_178 = tpu.memref_slice %arg4[%add3A_169, %dma_start3A_177] : memref<32768x768xf32, #tpu.memory_space<hbm>> -> memref<16x768xf32, #tpu.memory_space<hbm>>
    %dma_start3A_179 = arith.constant 0 : i32
    %dma_start3A_180 = arith.constant 0 : i32
    %dma_start3A_181 = tpu.memref_slice %arg6[%dma_start3A_170, %dma_start3A_179, %dma_start3A_180] : memref<8x16x768xf32, #tpu.memory_space<vmem>> -> memref<1x16x768xf32, #tpu.memory_space<vmem>>
    %dma_start3A_182 = tpu.memref_squeeze %dma_start3A_181 : memref<1x16x768xf32, #tpu.memory_space<vmem>> -> memref<16x768xf32, #tpu.memory_space<vmem>>
    tpu.enqueue_dma source(%dma_start3A_182 : memref<16x768xf32, #tpu.memory_space<vmem>>) target(%dma_start3A_178 : memref<16x768xf32, #tpu.memory_space<hbm>>) target_semaphore(%arg17 : memref<!tpu.dma_semaphore, #tpu.memory_space<semaphore_mem>>)
    %dma_start3A_183 = arith.constant 6 : i32
    %dma_start3A_184 = arith.constant 0 : i32
    %dma_start3A_185 = arith.constant 0 : i32
    %dma_start3A_186 = tpu.memref_slice %arg6[%dma_start3A_183, %dma_start3A_184, %dma_start3A_185] : memref<8x16x768xf32, #tpu.memory_space<vmem>> -> memref<1x16x768xf32, #tpu.memory_space<vmem>>
    %dma_start3A_187 = tpu.memref_squeeze %dma_start3A_186 : memref<1x16x768xf32, #tpu.memory_space<vmem>> -> memref<16x768xf32, #tpu.memory_space<vmem>>
    %dma_start3A_188 = arith.constant 96 : i32
    %dma_start3A_189 = tpu.memref_slice %arg5[%dma_start3A_188] : memref<1024xi32, #tpu.memory_space<vmem>> -> memref<16xi32, #tpu.memory_space<vmem>>
    %dma_start3A_190 = arith.constant 0 : i32
    %dma_start3A_191 = arith.constant 0 : i32
    %dma_start3A_192 = tpu.memref_slice %arg2[%dma_start3A_190, %dma_start3A_191] : memref<8192x768xf32, #tpu.memory_space<hbm>> -> memref<8192x768xf32, #tpu.memory_space<hbm>>
    tpu.enqueue_indirect_dma source(%dma_start3A_192 : memref<8192x768xf32, #tpu.memory_space<hbm>>) target(%dma_start3A_187 : memref<16x768xf32, #tpu.memory_space<vmem>>) offsets(%dma_start3A_189 : memref<16xi32, #tpu.memory_space<vmem>>) semaphore(%arg13 : memref<!tpu.dma_semaphore, #tpu.memory_space<semaphore_mem>>)
    %dma_wait3A_193 = arith.constant 3 : i32
    %dma_wait3A_194 = arith.constant 0 : i32
    %dma_wait3A_195 = arith.constant 0 : i32
    %dma_wait3A_196 = tpu.memref_slice %arg6[%dma_wait3A_193, %dma_wait3A_194, %dma_wait3A_195] : memref<8x16x768xf32, #tpu.memory_space<vmem>> -> memref<1x16x768xf32, #tpu.memory_space<vmem>>
    %dma_wait3A_197 = tpu.memref_squeeze %dma_wait3A_196 : memref<1x16x768xf32, #tpu.memory_space<vmem>> -> memref<16x768xf32, #tpu.memory_space<vmem>>
    %dma_wait3A_198 = arith.constant 0 : i32
    %dma_wait3A_199 = arith.constant 0 : i32
    %dma_wait3A_200 = tpu.memref_slice %arg2[%dma_wait3A_198, %dma_wait3A_199] : memref<8192x768xf32, #tpu.memory_space<hbm>> -> memref<16x768xf32, #tpu.memory_space<hbm>>
    %dma_wait3A_201 = arith.constant 0 : i32
    %dma_wait3A_202 = arith.constant 0 : i32
    %dma_wait3A_203 = tpu.memref_slice %arg6[%dma_wait3A_193, %dma_wait3A_201, %dma_wait3A_202] : memref<8x16x768xf32, #tpu.memory_space<vmem>> -> memref<1x16x768xf32, #tpu.memory_space<vmem>>
    %dma_wait3A_204 = tpu.memref_squeeze %dma_wait3A_203 : memref<1x16x768xf32, #tpu.memory_space<vmem>> -> memref<16x768xf32, #tpu.memory_space<vmem>>
    %dma_wait3A_205 = arith.constant 0 : i32
    %dma_wait3A_206 = arith.constant 0 : i32
    %dma_wait3A_207 = tpu.memref_slice %arg2[%dma_wait3A_205, %dma_wait3A_206] : memref<8192x768xf32, #tpu.memory_space<hbm>> -> memref<16x768xf32, #tpu.memory_space<hbm>>
    tpu.wait_dma2 semaphore(%arg10 : memref<!tpu.dma_semaphore, #tpu.memory_space<semaphore_mem>>) src(%dma_wait3A_207 : memref<16x768xf32, #tpu.memory_space<hbm>>) dst(%dma_wait3A_204 : memref<16x768xf32, #tpu.memory_space<vmem>>)
    %add3A_208 = arith.constant 48 : i32
    %add3A_209 = arith.addi %mul3A_2, %add3A_208 : i32
    %dma_start3A_210 = arith.constant 3 : i32
    %dma_start3A_211 = arith.constant 0 : i32
    %dma_start3A_212 = arith.constant 0 : i32
    %dma_start3A_213 = tpu.memref_slice %arg6[%dma_start3A_210, %dma_start3A_211, %dma_start3A_212] : memref<8x16x768xf32, #tpu.memory_space<vmem>> -> memref<1x16x768xf32, #tpu.memory_space<vmem>>
    %dma_start3A_214 = tpu.memref_squeeze %dma_start3A_213 : memref<1x16x768xf32, #tpu.memory_space<vmem>> -> memref<16x768xf32, #tpu.memory_space<vmem>>
    %dma_start3A_215 = arith.constant 0 : i32
    %dma_start3A_216 = tpu.memref_slice %arg4[%add3A_209, %dma_start3A_215] : memref<32768x768xf32, #tpu.memory_space<hbm>> -> memref<16x768xf32, #tpu.memory_space<hbm>>
    %dma_start3A_217 = arith.constant 0 : i32
    %dma_start3A_218 = tpu.memref_slice %arg4[%add3A_209, %dma_start3A_217] : memref<32768x768xf32, #tpu.memory_space<hbm>> -> memref<16x768xf32, #tpu.memory_space<hbm>>
    %dma_start3A_219 = arith.constant 0 : i32
    %dma_start3A_220 = arith.constant 0 : i32
    %dma_start3A_221 = tpu.memref_slice %arg6[%dma_start3A_210, %dma_start3A_219, %dma_start3A_220] : memref<8x16x768xf32, #tpu.memory_space<vmem>> -> memref<1x16x768xf32, #tpu.memory_space<vmem>>
    %dma_start3A_222 = tpu.memref_squeeze %dma_start3A_221 : memref<1x16x768xf32, #tpu.memory_space<vmem>> -> memref<16x768xf32, #tpu.memory_space<vmem>>
    tpu.enqueue_dma source(%dma_start3A_222 : memref<16x768xf32, #tpu.memory_space<vmem>>) target(%dma_start3A_218 : memref<16x768xf32, #tpu.memory_space<hbm>>) target_semaphore(%arg18 : memref<!tpu.dma_semaphore, #tpu.memory_space<semaphore_mem>>)
    %dma_start3A_223 = arith.constant 7 : i32
    %dma_start3A_224 = arith.constant 0 : i32
    %dma_start3A_225 = arith.constant 0 : i32
    %dma_start3A_226 = tpu.memref_slice %arg6[%dma_start3A_223, %dma_start3A_224, %dma_start3A_225] : memref<8x16x768xf32, #tpu.memory_space<vmem>> -> memref<1x16x768xf32, #tpu.memory_space<vmem>>
    %dma_start3A_227 = tpu.memref_squeeze %dma_start3A_226 : memref<1x16x768xf32, #tpu.memory_space<vmem>> -> memref<16x768xf32, #tpu.memory_space<vmem>>
    %dma_start3A_228 = arith.constant 112 : i32
    %dma_start3A_229 = tpu.memref_slice %arg5[%dma_start3A_228] : memref<1024xi32, #tpu.memory_space<vmem>> -> memref<16xi32, #tpu.memory_space<vmem>>
    %dma_start3A_230 = arith.constant 0 : i32
    %dma_start3A_231 = arith.constant 0 : i32
    %dma_start3A_232 = tpu.memref_slice %arg2[%dma_start3A_230, %dma_start3A_231] : memref<8192x768xf32, #tpu.memory_space<hbm>> -> memref<8192x768xf32, #tpu.memory_space<hbm>>
    tpu.enqueue_indirect_dma source(%dma_start3A_232 : memref<8192x768xf32, #tpu.memory_space<hbm>>) target(%dma_start3A_227 : memref<16x768xf32, #tpu.memory_space<vmem>>) offsets(%dma_start3A_229 : memref<16xi32, #tpu.memory_space<vmem>>) semaphore(%arg14 : memref<!tpu.dma_semaphore, #tpu.memory_space<semaphore_mem>>)
    %dma_wait3A_233 = arith.constant 4 : i32
    %dma_wait3A_234 = arith.constant 0 : i32
    %dma_wait3A_235 = arith.constant 0 : i32
    %dma_wait3A_236 = tpu.memref_slice %arg6[%dma_wait3A_233, %dma_wait3A_234, %dma_wait3A_235] : memref<8x16x768xf32, #tpu.memory_space<vmem>> -> memref<1x16x768xf32, #tpu.memory_space<vmem>>
    %dma_wait3A_237 = tpu.memref_squeeze %dma_wait3A_236 : memref<1x16x768xf32, #tpu.memory_space<vmem>> -> memref<16x768xf32, #tpu.memory_space<vmem>>
    %dma_wait3A_238 = arith.constant 0 : i32
    %dma_wait3A_239 = arith.constant 0 : i32
    %dma_wait3A_240 = tpu.memref_slice %arg2[%dma_wait3A_238, %dma_wait3A_239] : memref<8192x768xf32, #tpu.memory_space<hbm>> -> memref<16x768xf32, #tpu.memory_space<hbm>>
    %dma_wait3A_241 = arith.constant 0 : i32
    %dma_wait3A_242 = arith.constant 0 : i32
    %dma_wait3A_243 = tpu.memref_slice %arg6[%dma_wait3A_233, %dma_wait3A_241, %dma_wait3A_242] : memref<8x16x768xf32, #tpu.memory_space<vmem>> -> memref<1x16x768xf32, #tpu.memory_space<vmem>>
    %dma_wait3A_244 = tpu.memref_squeeze %dma_wait3A_243 : memref<1x16x768xf32, #tpu.memory_space<vmem>> -> memref<16x768xf32, #tpu.memory_space<vmem>>
    %dma_wait3A_245 = arith.constant 0 : i32
    %dma_wait3A_246 = arith.constant 0 : i32
    %dma_wait3A_247 = tpu.memref_slice %arg2[%dma_wait3A_245, %dma_wait3A_246] : memref<8192x768xf32, #tpu.memory_space<hbm>> -> memref<16x768xf32, #tpu.memory_space<hbm>>
    tpu.wait_dma2 semaphore(%arg11 : memref<!tpu.dma_semaphore, #tpu.memory_space<semaphore_mem>>) src(%dma_wait3A_247 : memref<16x768xf32, #tpu.memory_space<hbm>>) dst(%dma_wait3A_244 : memref<16x768xf32, #tpu.memory_space<vmem>>)
    %add3A_248 = arith.constant 64 : i32
    %add3A_249 = arith.addi %mul3A_2, %add3A_248 : i32
    %dma_start3A_250 = arith.constant 4 : i32
    %dma_start3A_251 = arith.constant 0 : i32
    %dma_start3A_252 = arith.constant 0 : i32
    %dma_start3A_253 = tpu.memref_slice %arg6[%dma_start3A_250, %dma_start3A_251, %dma_start3A_252] : memref<8x16x768xf32, #tpu.memory_space<vmem>> -> memref<1x16x768xf32, #tpu.memory_space<vmem>>
    %dma_start3A_254 = tpu.memref_squeeze %dma_start3A_253 : memref<1x16x768xf32, #tpu.memory_space<vmem>> -> memref<16x768xf32, #tpu.memory_space<vmem>>
    %dma_start3A_255 = arith.constant 0 : i32
    %dma_start3A_256 = tpu.memref_slice %arg4[%add3A_249, %dma_start3A_255] : memref<32768x768xf32, #tpu.memory_space<hbm>> -> memref<16x768xf32, #tpu.memory_space<hbm>>
    %dma_start3A_257 = arith.constant 0 : i32
    %dma_start3A_258 = tpu.memref_slice %arg4[%add3A_249, %dma_start3A_257] : memref<32768x768xf32, #tpu.memory_space<hbm>> -> memref<16x768xf32, #tpu.memory_space<hbm>>
    %dma_start3A_259 = arith.constant 0 : i32
    %dma_start3A_260 = arith.constant 0 : i32
    %dma_start3A_261 = tpu.memref_slice %arg6[%dma_start3A_250, %dma_start3A_259, %dma_start3A_260] : memref<8x16x768xf32, #tpu.memory_space<vmem>> -> memref<1x16x768xf32, #tpu.memory_space<vmem>>
    %dma_start3A_262 = tpu.memref_squeeze %dma_start3A_261 : memref<1x16x768xf32, #tpu.memory_space<vmem>> -> memref<16x768xf32, #tpu.memory_space<vmem>>
    tpu.enqueue_dma source(%dma_start3A_262 : memref<16x768xf32, #tpu.memory_space<vmem>>) target(%dma_start3A_258 : memref<16x768xf32, #tpu.memory_space<hbm>>) target_semaphore(%arg19 : memref<!tpu.dma_semaphore, #tpu.memory_space<semaphore_mem>>)
    %dma_wait3A_263 = arith.constant 0 : i32
    %dma_wait3A_264 = arith.constant 0 : i32
    %dma_wait3A_265 = arith.constant 0 : i32
    %dma_wait3A_266 = tpu.memref_slice %arg6[%dma_wait3A_263, %dma_wait3A_264, %dma_wait3A_265] : memref<8x16x768xf32, #tpu.memory_space<vmem>> -> memref<1x16x768xf32, #tpu.memory_space<vmem>>
    %dma_wait3A_267 = tpu.memref_squeeze %dma_wait3A_266 : memref<1x16x768xf32, #tpu.memory_space<vmem>> -> memref<16x768xf32, #tpu.memory_space<vmem>>
    %dma_wait3A_268 = arith.constant 0 : i32
    %dma_wait3A_269 = tpu.memref_slice %arg4[%mul3A_2, %dma_wait3A_268] : memref<32768x768xf32, #tpu.memory_space<hbm>> -> memref<16x768xf32, #tpu.memory_space<hbm>>
    %dma_wait3A_270 = arith.constant 0 : i32
    %dma_wait3A_271 = tpu.memref_slice %arg4[%mul3A_2, %dma_wait3A_270] : memref<32768x768xf32, #tpu.memory_space<hbm>> -> memref<16x768xf32, #tpu.memory_space<hbm>>
    %dma_wait3A_272 = arith.constant 0 : i32
    %dma_wait3A_273 = arith.constant 0 : i32
    %dma_wait3A_274 = tpu.memref_slice %arg6[%dma_wait3A_263, %dma_wait3A_272, %dma_wait3A_273] : memref<8x16x768xf32, #tpu.memory_space<vmem>> -> memref<1x16x768xf32, #tpu.memory_space<vmem>>
    %dma_wait3A_275 = tpu.memref_squeeze %dma_wait3A_274 : memref<1x16x768xf32, #tpu.memory_space<vmem>> -> memref<16x768xf32, #tpu.memory_space<vmem>>
    tpu.wait_dma2 semaphore(%arg15 : memref<!tpu.dma_semaphore, #tpu.memory_space<semaphore_mem>>) src(%dma_wait3A_275 : memref<16x768xf32, #tpu.memory_space<vmem>>) dst(%dma_wait3A_271 : memref<16x768xf32, #tpu.memory_space<hbm>>)
    %dma_start3A_276 = arith.constant 0 : i32
    %dma_start3A_277 = arith.constant 0 : i32
    %dma_start3A_278 = arith.constant 0 : i32
    %dma_start3A_279 = tpu.memref_slice %arg6[%dma_start3A_276, %dma_start3A_277, %dma_start3A_278] : memref<8x16x768xf32, #tpu.memory_space<vmem>> -> memref<1x16x768xf32, #tpu.memory_space<vmem>>
    %dma_start3A_280 = tpu.memref_squeeze %dma_start3A_279 : memref<1x16x768xf32, #tpu.memory_space<vmem>> -> memref<16x768xf32, #tpu.memory_space<vmem>>
    %dma_start3A_281 = arith.constant 128 : i32
    %dma_start3A_282 = tpu.memref_slice %arg5[%dma_start3A_281] : memref<1024xi32, #tpu.memory_space<vmem>> -> memref<16xi32, #tpu.memory_space<vmem>>
    %dma_start3A_283 = arith.constant 0 : i32
    %dma_start3A_284 = arith.constant 0 : i32
    %dma_start3A_285 = tpu.memref_slice %arg2[%dma_start3A_283, %dma_start3A_284] : memref<8192x768xf32, #tpu.memory_space<hbm>> -> memref<8192x768xf32, #tpu.memory_space<hbm>>
    tpu.enqueue_indirect_dma source(%dma_start3A_285 : memref<8192x768xf32, #tpu.memory_space<hbm>>) target(%dma_start3A_280 : memref<16x768xf32, #tpu.memory_space<vmem>>) offsets(%dma_start3A_282 : memref<16xi32, #tpu.memory_space<vmem>>) semaphore(%arg7 : memref<!tpu.dma_semaphore, #tpu.memory_space<semaphore_mem>>)
    %dma_wait3A_286 = arith.constant 5 : i32
    %dma_wait3A_287 = arith.constant 0 : i32
    %dma_wait3A_288 = arith.constant 0 : i32
    %dma_wait3A_289 = tpu.memref_slice %arg6[%dma_wait3A_286, %dma_wait3A_287, %dma_wait3A_288] : memref<8x16x768xf32, #tpu.memory_space<vmem>> -> memref<1x16x768xf32, #tpu.memory_space<vmem>>
    %dma_wait3A_290 = tpu.memref_squeeze %dma_wait3A_289 : memref<1x16x768xf32, #tpu.memory_space<vmem>> -> memref<16x768xf32, #tpu.memory_space<vmem>>
    %dma_wait3A_291 = arith.constant 0 : i32
    %dma_wait3A_292 = arith.constant 0 : i32
    %dma_wait3A_293 = tpu.memref_slice %arg2[%dma_wait3A_291, %dma_wait3A_292] : memref<8192x768xf32, #tpu.memory_space<hbm>> -> memref<16x768xf32, #tpu.memory_space<hbm>>
    %dma_wait3A_294 = arith.constant 0 : i32
    %dma_wait3A_295 = arith.constant 0 : i32
    %dma_wait3A_296 = tpu.memref_slice %arg6[%dma_wait3A_286, %dma_wait3A_294, %dma_wait3A_295] : memref<8x16x768xf32, #tpu.memory_space<vmem>> -> memref<1x16x768xf32, #tpu.memory_space<vmem>>
    %dma_wait3A_297 = tpu.memref_squeeze %dma_wait3A_296 : memref<1x16x768xf32, #tpu.memory_space<vmem>> -> memref<16x768xf32, #tpu.memory_space<vmem>>
    %dma_wait3A_298 = arith.constant 0 : i32
    %dma_wait3A_299 = arith.constant 0 : i32
    %dma_wait3A_300 = tpu.memref_slice %arg2[%dma_wait3A_298, %dma_wait3A_299] : memref<8192x768xf32, #tpu.memory_space<hbm>> -> memref<16x768xf32, #tpu.memory_space<hbm>>
    tpu.wait_dma2 semaphore(%arg12 : memref<!tpu.dma_semaphore, #tpu.memory_space<semaphore_mem>>) src(%dma_wait3A_300 : memref<16x768xf32, #tpu.memory_space<hbm>>) dst(%dma_wait3A_297 : memref<16x768xf32, #tpu.memory_space<vmem>>)
    %add3A_301 = arith.constant 80 : i32
    %add3A_302 = arith.addi %mul3A_2, %add3A_301 : i32
    %dma_start3A_303 = arith.constant 5 : i32
    %dma_start3A_304 = arith.constant 0 : i32
    %dma_start3A_305 = arith.constant 0 : i32
    %dma_start3A_306 = tpu.memref_slice %arg6[%dma_start3A_303, %dma_start3A_304, %dma_start3A_305] : memref<8x16x768xf32, #tpu.memory_space<vmem>> -> memref<1x16x768xf32, #tpu.memory_space<vmem>>
    %dma_start3A_307 = tpu.memref_squeeze %dma_start3A_306 : memref<1x16x768xf32, #tpu.memory_space<vmem>> -> memref<16x768xf32, #tpu.memory_space<vmem>>
    %dma_start3A_308 = arith.constant 0 : i32
    %dma_start3A_309 = tpu.memref_slice %arg4[%add3A_302, %dma_start3A_308] : memref<32768x768xf32, #tpu.memory_space<hbm>> -> memref<16x768xf32, #tpu.memory_space<hbm>>
    %dma_start3A_310 = arith.constant 0 : i32
    %dma_start3A_311 = tpu.memref_slice %arg4[%add3A_302, %dma_start3A_310] : memref<32768x768xf32, #tpu.memory_space<hbm>> -> memref<16x768xf32, #tpu.memory_space<hbm>>
    %dma_start3A_312 = arith.constant 0 : i32
    %dma_start3A_313 = arith.constant 0 : i32
    %dma_start3A_314 = tpu.memref_slice %arg6[%dma_start3A_303, %dma_start3A_312, %dma_start3A_313] : memref<8x16x768xf32, #tpu.memory_space<vmem>> -> memref<1x16x768xf32, #tpu.memory_space<vmem>>
    %dma_start3A_315 = tpu.memref_squeeze %dma_start3A_314 : memref<1x16x768xf32, #tpu.memory_space<vmem>> -> memref<16x768xf32, #tpu.memory_space<vmem>>
    tpu.enqueue_dma source(%dma_start3A_315 : memref<16x768xf32, #tpu.memory_space<vmem>>) target(%dma_start3A_311 : memref<16x768xf32, #tpu.memory_space<hbm>>) target_semaphore(%arg20 : memref<!tpu.dma_semaphore, #tpu.memory_space<semaphore_mem>>)
    %dma_wait3A_316 = arith.constant 1 : i32
    %dma_wait3A_317 = arith.constant 0 : i32
    %dma_wait3A_318 = arith.constant 0 : i32
    %dma_wait3A_319 = tpu.memref_slice %arg6[%dma_wait3A_316, %dma_wait3A_317, %dma_wait3A_318] : memref<8x16x768xf32, #tpu.memory_space<vmem>> -> memref<1x16x768xf32, #tpu.memory_space<vmem>>
    %dma_wait3A_320 = tpu.memref_squeeze %dma_wait3A_319 : memref<1x16x768xf32, #tpu.memory_space<vmem>> -> memref<16x768xf32, #tpu.memory_space<vmem>>
    %dma_wait3A_321 = arith.constant 0 : i32
    %dma_wait3A_322 = tpu.memref_slice %arg4[%mul3A_2, %dma_wait3A_321] : memref<32768x768xf32, #tpu.memory_space<hbm>> -> memref<16x768xf32, #tpu.memory_space<hbm>>
    %dma_wait3A_323 = arith.constant 0 : i32
    %dma_wait3A_324 = tpu.memref_slice %arg4[%mul3A_2, %dma_wait3A_323] : memref<32768x768xf32, #tpu.memory_space<hbm>> -> memref<16x768xf32, #tpu.memory_space<hbm>>
    %dma_wait3A_325 = arith.constant 0 : i32
    %dma_wait3A_326 = arith.constant 0 : i32
    %dma_wait3A_327 = tpu.memref_slice %arg6[%dma_wait3A_316, %dma_wait3A_325, %dma_wait3A_326] : memref<8x16x768xf32, #tpu.memory_space<vmem>> -> memref<1x16x768xf32, #tpu.memory_space<vmem>>
    %dma_wait3A_328 = tpu.memref_squeeze %dma_wait3A_327 : memref<1x16x768xf32, #tpu.memory_space<vmem>> -> memref<16x768xf32, #tpu.memory_space<vmem>>
    tpu.wait_dma2 semaphore(%arg16 : memref<!tpu.dma_semaphore, #tpu.memory_space<semaphore_mem>>) src(%dma_wait3A_328 : memref<16x768xf32, #tpu.memory_space<vmem>>) dst(%dma_wait3A_324 : memref<16x768xf32, #tpu.memory_space<hbm>>)
    %dma_start3A_329 = arith.constant 1 : i32
    %dma_start3A_330 = arith.constant 0 : i32
    %dma_start3A_331 = arith.constant 0 : i32
    %dma_start3A_332 = tpu.memref_slice %arg6[%dma_start3A_329, %dma_start3A_330, %dma_start3A_331] : memref<8x16x768xf32, #tpu.memory_space<vmem>> -> memref<1x16x768xf32, #tpu.memory_space<vmem>>
    %dma_start3A_333 = tpu.memref_squeeze %dma_start3A_332 : memref<1x16x768xf32, #tpu.memory_space<vmem>> -> memref<16x768xf32, #tpu.memory_space<vmem>>
    %dma_start3A_334 = arith.constant 144 : i32
    %dma_start3A_335 = tpu.memref_slice %arg5[%dma_start3A_334] : memref<1024xi32, #tpu.memory_space<vmem>> -> memref<16xi32, #tpu.memory_space<vmem>>
    %dma_start3A_336 = arith.constant 0 : i32
    %dma_start3A_337 = arith.constant 0 : i32
    %dma_start3A_338 = tpu.memref_slice %arg2[%dma_start3A_336, %dma_start3A_337] : memref<8192x768xf32, #tpu.memory_space<hbm>> -> memref<8192x768xf32, #tpu.memory_space<hbm>>
    tpu.enqueue_indirect_dma source(%dma_start3A_338 : memref<8192x768xf32, #tpu.memory_space<hbm>>) target(%dma_start3A_333 : memref<16x768xf32, #tpu.memory_space<vmem>>) offsets(%dma_start3A_335 : memref<16xi32, #tpu.memory_space<vmem>>) semaphore(%arg8 : memref<!tpu.dma_semaphore, #tpu.memory_space<semaphore_mem>>)
    %dma_wait3A_339 = arith.constant 6 : i32
    %dma_wait3A_340 = arith.constant 0 : i32
    %dma_wait3A_341 = arith.constant 0 : i32
    %dma_wait3A_342 = tpu.memref_slice %arg6[%dma_wait3A_339, %dma_wait3A_340, %dma_wait3A_341] : memref<8x16x768xf32, #tpu.memory_space<vmem>> -> memref<1x16x768xf32, #tpu.memory_space<vmem>>
    %dma_wait3A_343 = tpu.memref_squeeze %dma_wait3A_342 : memref<1x16x768xf32, #tpu.memory_space<vmem>> -> memref<16x768xf32, #tpu.memory_space<vmem>>
    %dma_wait3A_344 = arith.constant 0 : i32
    %dma_wait3A_345 = arith.constant 0 : i32
    %dma_wait3A_346 = tpu.memref_slice %arg2[%dma_wait3A_344, %dma_wait3A_345] : memref<8192x768xf32, #tpu.memory_space<hbm>> -> memref<16x768xf32, #tpu.memory_space<hbm>>
    %dma_wait3A_347 = arith.constant 0 : i32
    %dma_wait3A_348 = arith.constant 0 : i32
    %dma_wait3A_349 = tpu.memref_slice %arg6[%dma_wait3A_339, %dma_wait3A_347, %dma_wait3A_348] : memref<8x16x768xf32, #tpu.memory_space<vmem>> -> memref<1x16x768xf32, #tpu.memory_space<vmem>>
    %dma_wait3A_350 = tpu.memref_squeeze %dma_wait3A_349 : memref<1x16x768xf32, #tpu.memory_space<vmem>> -> memref<16x768xf32, #tpu.memory_space<vmem>>
    %dma_wait3A_351 = arith.constant 0 : i32
    %dma_wait3A_352 = arith.constant 0 : i32
    %dma_wait3A_353 = tpu.memref_slice %arg2[%dma_wait3A_351, %dma_wait3A_352] : memref<8192x768xf32, #tpu.memory_space<hbm>> -> memref<16x768xf32, #tpu.memory_space<hbm>>
    tpu.wait_dma2 semaphore(%arg13 : memref<!tpu.dma_semaphore, #tpu.memory_space<semaphore_mem>>) src(%dma_wait3A_353 : memref<16x768xf32, #tpu.memory_space<hbm>>) dst(%dma_wait3A_350 : memref<16x768xf32, #tpu.memory_space<vmem>>)
    %add3A_354 = arith.constant 96 : i32
    %add3A_355 = arith.addi %mul3A_2, %add3A_354 : i32
    %dma_start3A_356 = arith.constant 6 : i32
    %dma_start3A_357 = arith.constant 0 : i32
    %dma_start3A_358 = arith.constant 0 : i32
    %dma_start3A_359 = tpu.memref_slice %arg6[%dma_start3A_356, %dma_start3A_357, %dma_start3A_358] : memref<8x16x768xf32, #tpu.memory_space<vmem>> -> memref<1x16x768xf32, #tpu.memory_space<vmem>>
    %dma_start3A_360 = tpu.memref_squeeze %dma_start3A_359 : memref<1x16x768xf32, #tpu.memory_space<vmem>> -> memref<16x768xf32, #tpu.memory_space<vmem>>
    %dma_start3A_361 = arith.constant 0 : i32
    %dma_start3A_362 = tpu.memref_slice %arg4[%add3A_355, %dma_start3A_361] : memref<32768x768xf32, #tpu.memory_space<hbm>> -> memref<16x768xf32, #tpu.memory_space<hbm>>
    %dma_start3A_363 = arith.constant 0 : i32
    %dma_start3A_364 = tpu.memref_slice %arg4[%add3A_355, %dma_start3A_363] : memref<32768x768xf32, #tpu.memory_space<hbm>> -> memref<16x768xf32, #tpu.memory_space<hbm>>
    %dma_start3A_365 = arith.constant 0 : i32
    %dma_start3A_366 = arith.constant 0 : i32
    %dma_start3A_367 = tpu.memref_slice %arg6[%dma_start3A_356, %dma_start3A_365, %dma_start3A_366] : memref<8x16x768xf32, #tpu.memory_space<vmem>> -> memref<1x16x768xf32, #tpu.memory_space<vmem>>
    %dma_start3A_368 = tpu.memref_squeeze %dma_start3A_367 : memref<1x16x768xf32, #tpu.memory_space<vmem>> -> memref<16x768xf32, #tpu.memory_space<vmem>>
    tpu.enqueue_dma source(%dma_start3A_368 : memref<16x768xf32, #tpu.memory_space<vmem>>) target(%dma_start3A_364 : memref<16x768xf32, #tpu.memory_space<hbm>>) target_semaphore(%arg21 : memref<!tpu.dma_semaphore, #tpu.memory_space<semaphore_mem>>)
    %dma_wait3A_369 = arith.constant 2 : i32
    %dma_wait3A_370 = arith.constant 0 : i32
    %dma_wait3A_371 = arith.constant 0 : i32
    %dma_wait3A_372 = tpu.memref_slice %arg6[%dma_wait3A_369, %dma_wait3A_370, %dma_wait3A_371] : memref<8x16x768xf32, #tpu.memory_space<vmem>> -> memref<1x16x768xf32, #tpu.memory_space<vmem>>
    %dma_wait3A_373 = tpu.memref_squeeze %dma_wait3A_372 : memref<1x16x768xf32, #tpu.memory_space<vmem>> -> memref<16x768xf32, #tpu.memory_space<vmem>>
    %dma_wait3A_374 = arith.constant 0 : i32
    %dma_wait3A_375 = tpu.memref_slice %arg4[%mul3A_2, %dma_wait3A_374] : memref<32768x768xf32, #tpu.memory_space<hbm>> -> memref<16x768xf32, #tpu.memory_space<hbm>>
    %dma_wait3A_376 = arith.constant 0 : i32
    %dma_wait3A_377 = tpu.memref_slice %arg4[%mul3A_2, %dma_wait3A_376] : memref<32768x768xf32, #tpu.memory_space<hbm>> -> memref<16x768xf32, #tpu.memory_space<hbm>>
    %dma_wait3A_378 = arith.constant 0 : i32
    %dma_wait3A_379 = arith.constant 0 : i32
    %dma_wait3A_380 = tpu.memref_slice %arg6[%dma_wait3A_369, %dma_wait3A_378, %dma_wait3A_379] : memref<8x16x768xf32, #tpu.memory_space<vmem>> -> memref<1x16x768xf32, #tpu.memory_space<vmem>>
    %dma_wait3A_381 = tpu.memref_squeeze %dma_wait3A_380 : memref<1x16x768xf32, #tpu.memory_space<vmem>> -> memref<16x768xf32, #tpu.memory_space<vmem>>
    tpu.wait_dma2 semaphore(%arg17 : memref<!tpu.dma_semaphore, #tpu.memory_space<semaphore_mem>>) src(%dma_wait3A_381 : memref<16x768xf32, #tpu.memory_space<vmem>>) dst(%dma_wait3A_377 : memref<16x768xf32, #tpu.memory_space<hbm>>)
    %dma_start3A_382 = arith.constant 2 : i32
    %dma_start3A_383 = arith.constant 0 : i32
    %dma_start3A_384 = arith.constant 0 : i32
    %dma_start3A_385 = tpu.memref_slice %arg6[%dma_start3A_382, %dma_start3A_383, %dma_start3A_384] : memref<8x16x768xf32, #tpu.memory_space<vmem>> -> memref<1x16x768xf32, #tpu.memory_space<vmem>>
    %dma_start3A_386 = tpu.memref_squeeze %dma_start3A_385 : memref<1x16x768xf32, #tpu.memory_space<vmem>> -> memref<16x768xf32, #tpu.memory_space<vmem>>
    %dma_start3A_387 = arith.constant 160 : i32
    %dma_start3A_388 = tpu.memref_slice %arg5[%dma_start3A_387] : memref<1024xi32, #tpu.memory_space<vmem>> -> memref<16xi32, #tpu.memory_space<vmem>>
    %dma_start3A_389 = arith.constant 0 : i32
    %dma_start3A_390 = arith.constant 0 : i32
    %dma_start3A_391 = tpu.memref_slice %arg2[%dma_start3A_389, %dma_start3A_390] : memref<8192x768xf32, #tpu.memory_space<hbm>> -> memref<8192x768xf32, #tpu.memory_space<hbm>>
    tpu.enqueue_indirect_dma source(%dma_start3A_391 : memref<8192x768xf32, #tpu.memory_space<hbm>>) target(%dma_start3A_386 : memref<16x768xf32, #tpu.memory_space<vmem>>) offsets(%dma_start3A_388 : memref<16xi32, #tpu.memory_space<vmem>>) semaphore(%arg9 : memref<!tpu.dma_semaphore, #tpu.memory_space<semaphore_mem>>)
    %dma_wait3A_392 = arith.constant 7 : i32
    %dma_wait3A_393 = arith.constant 0 : i32
    %dma_wait3A_394 = arith.constant 0 : i32
    %dma_wait3A_395 = tpu.memref_slice %arg6[%dma_wait3A_392, %dma_wait3A_393, %dma_wait3A_394] : memref<8x16x768xf32, #tpu.memory_space<vmem>> -> memref<1x16x768xf32, #tpu.memory_space<vmem>>
    %dma_wait3A_396 = tpu.memref_squeeze %dma_wait3A_395 : memref<1x16x768xf32, #tpu.memory_space<vmem>> -> memref<16x768xf32, #tpu.memory_space<vmem>>
    %dma_wait3A_397 = arith.constant 0 : i32
    %dma_wait3A_398 = arith.constant 0 : i32
    %dma_wait3A_399 = tpu.memref_slice %arg2[%dma_wait3A_397, %dma_wait3A_398] : memref<8192x768xf32, #tpu.memory_space<hbm>> -> memref<16x768xf32, #tpu.memory_space<hbm>>
    %dma_wait3A_400 = arith.constant 0 : i32
    %dma_wait3A_401 = arith.constant 0 : i32
    %dma_wait3A_402 = tpu.memref_slice %arg6[%dma_wait3A_392, %dma_wait3A_400, %dma_wait3A_401] : memref<8x16x768xf32, #tpu.memory_space<vmem>> -> memref<1x16x768xf32, #tpu.memory_space<vmem>>
    %dma_wait3A_403 = tpu.memref_squeeze %dma_wait3A_402 : memref<1x16x768xf32, #tpu.memory_space<vmem>> -> memref<16x768xf32, #tpu.memory_space<vmem>>
    %dma_wait3A_404 = arith.constant 0 : i32
    %dma_wait3A_405 = arith.constant 0 : i32
    %dma_wait3A_406 = tpu.memref_slice %arg2[%dma_wait3A_404, %dma_wait3A_405] : memref<8192x768xf32, #tpu.memory_space<hbm>> -> memref<16x768xf32, #tpu.memory_space<hbm>>
    tpu.wait_dma2 semaphore(%arg14 : memref<!tpu.dma_semaphore, #tpu.memory_space<semaphore_mem>>) src(%dma_wait3A_406 : memref<16x768xf32, #tpu.memory_space<hbm>>) dst(%dma_wait3A_403 : memref<16x768xf32, #tpu.memory_space<vmem>>)
    %add3A_407 = arith.constant 112 : i32
    %add3A_408 = arith.addi %mul3A_2, %add3A_407 : i32
    %dma_start3A_409 = arith.constant 7 : i32
    %dma_start3A_410 = arith.constant 0 : i32
    %dma_start3A_411 = arith.constant 0 : i32
    %dma_start3A_412 = tpu.memref_slice %arg6[%dma_start3A_409, %dma_start3A_410, %dma_start3A_411] : memref<8x16x768xf32, #tpu.memory_space<vmem>> -> memref<1x16x768xf32, #tpu.memory_space<vmem>>
    %dma_start3A_413 = tpu.memref_squeeze %dma_start3A_412 : memref<1x16x768xf32, #tpu.memory_space<vmem>> -> memref<16x768xf32, #tpu.memory_space<vmem>>
    %dma_start3A_414 = arith.constant 0 : i32
    %dma_start3A_415 = tpu.memref_slice %arg4[%add3A_408, %dma_start3A_414] : memref<32768x768xf32, #tpu.memory_space<hbm>> -> memref<16x768xf32, #tpu.memory_space<hbm>>
    %dma_start3A_416 = arith.constant 0 : i32
    %dma_start3A_417 = tpu.memref_slice %arg4[%add3A_408, %dma_start3A_416] : memref<32768x768xf32, #tpu.memory_space<hbm>> -> memref<16x768xf32, #tpu.memory_space<hbm>>
    %dma_start3A_418 = arith.constant 0 : i32
    %dma_start3A_419 = arith.constant 0 : i32
    %dma_start3A_420 = tpu.memref_slice %arg6[%dma_start3A_409, %dma_start3A_418, %dma_start3A_419] : memref<8x16x768xf32, #tpu.memory_space<vmem>> -> memref<1x16x768xf32, #tpu.memory_space<vmem>>
    %dma_start3A_421 = tpu.memref_squeeze %dma_start3A_420 : memref<1x16x768xf32, #tpu.memory_space<vmem>> -> memref<16x768xf32, #tpu.memory_space<vmem>>
    tpu.enqueue_dma source(%dma_start3A_421 : memref<16x768xf32, #tpu.memory_space<vmem>>) target(%dma_start3A_417 : memref<16x768xf32, #tpu.memory_space<hbm>>) target_semaphore(%arg22 : memref<!tpu.dma_semaphore, #tpu.memory_space<semaphore_mem>>)
    %dma_wait3A_422 = arith.constant 3 : i32
    %dma_wait3A_423 = arith.constant 0 : i32
    %dma_wait3A_424 = arith.constant 0 : i32
    %dma_wait3A_425 = tpu.memref_slice %arg6[%dma_wait3A_422, %dma_wait3A_423, %dma_wait3A_424] : memref<8x16x768xf32, #tpu.memory_space<vmem>> -> memref<1x16x768xf32, #tpu.memory_space<vmem>>
    %dma_wait3A_426 = tpu.memref_squeeze %dma_wait3A_425 : memref<1x16x768xf32, #tpu.memory_space<vmem>> -> memref<16x768xf32, #tpu.memory_space<vmem>>
    %dma_wait3A_427 = arith.constant 0 : i32
    %dma_wait3A_428 = tpu.memref_slice %arg4[%mul3A_2, %dma_wait3A_427] : memref<32768x768xf32, #tpu.memory_space<hbm>> -> memref<16x768xf32, #tpu.memory_space<hbm>>
    %dma_wait3A_429 = arith.constant 0 : i32
    %dma_wait3A_430 = tpu.memref_slice %arg4[%mul3A_2, %dma_wait3A_429] : memref<32768x768xf32, #tpu.memory_space<hbm>> -> memref<16x768xf32, #tpu.memory_space<hbm>>
    %dma_wait3A_431 = arith.constant 0 : i32
    %dma_wait3A_432 = arith.constant 0 : i32
    %dma_wait3A_433 = tpu.memref_slice %arg6[%dma_wait3A_422, %dma_wait3A_431, %dma_wait3A_432] : memref<8x16x768xf32, #tpu.memory_space<vmem>> -> memref<1x16x768xf32, #tpu.memory_space<vmem>>
    %dma_wait3A_434 = tpu.memref_squeeze %dma_wait3A_433 : memref<1x16x768xf32, #tpu.memory_space<vmem>> -> memref<16x768xf32, #tpu.memory_space<vmem>>
    tpu.wait_dma2 semaphore(%arg18 : memref<!tpu.dma_semaphore, #tpu.memory_space<semaphore_mem>>) src(%dma_wait3A_434 : memref<16x768xf32, #tpu.memory_space<vmem>>) dst(%dma_wait3A_430 : memref<16x768xf32, #tpu.memory_space<hbm>>)
    %dma_start3A_435 = arith.constant 3 : i32
    %dma_start3A_436 = arith.constant 0 : i32
    %dma_start3A_437 = arith.constant 0 : i32
    %dma_start3A_438 = tpu.memref_slice %arg6[%dma_start3A_435, %dma_start3A_436, %dma_start3A_437] : memref<8x16x768xf32, #tpu.memory_space<vmem>> -> memref<1x16x768xf32, #tpu.memory_space<vmem>>
    %dma_start3A_439 = tpu.memref_squeeze %dma_start3A_438 : memref<1x16x768xf32, #tpu.memory_space<vmem>> -> memref<16x768xf32, #tpu.memory_space<vmem>>
    %dma_start3A_440 = arith.constant 176 : i32
    %dma_start3A_441 = tpu.memref_slice %arg5[%dma_start3A_440] : memref<1024xi32, #tpu.memory_space<vmem>> -> memref<16xi32, #tpu.memory_space<vmem>>
    %dma_start3A_442 = arith.constant 0 : i32
    %dma_start3A_443 = arith.constant 0 : i32
    %dma_start3A_444 = tpu.memref_slice %arg2[%dma_start3A_442, %dma_start3A_443] : memref<8192x768xf32, #tpu.memory_space<hbm>> -> memref<8192x768xf32, #tpu.memory_space<hbm>>
    tpu.enqueue_indirect_dma source(%dma_start3A_444 : memref<8192x768xf32, #tpu.memory_space<hbm>>) target(%dma_start3A_439 : memref<16x768xf32, #tpu.memory_space<vmem>>) offsets(%dma_start3A_441 : memref<16xi32, #tpu.memory_space<vmem>>) semaphore(%arg10 : memref<!tpu.dma_semaphore, #tpu.memory_space<semaphore_mem>>)
    %scan3A = arith.constant 0 : i32
    %scan3A_445 = arith.constant 7 : i32
    %scan3A_446 = arith.addi %scan3A, %scan3A_445 : i32
    %scan3A_447 = arith.constant 1 : i32
    scf.for %scan3A_553 = %scan3A to %scan3A_446 step %scan3A_447  : i32 {
      %mul3A_554 = arith.constant 8 : i32
      %mul3A_555 = arith.muli %scan3A_553, %mul3A_554 : i32
      %add3A_556 = arith.constant 8 : i32
      %add3A_557 = arith.addi %add3A_556, %mul3A_555 : i32
      %add3A_558 = arith.constant 0 : i32
      %add3A_559 = arith.addi %add3A_557, %add3A_558 : i32
      %dma_wait3A_560 = arith.constant 0 : i32
      %dma_wait3A_561 = arith.constant 0 : i32
      %dma_wait3A_562 = arith.constant 0 : i32
      %dma_wait3A_563 = tpu.memref_slice %arg6[%dma_wait3A_560, %dma_wait3A_561, %dma_wait3A_562] : memref<8x16x768xf32, #tpu.memory_space<vmem>> -> memref<1x16x768xf32, #tpu.memory_space<vmem>>
      %dma_wait3A_564 = tpu.memref_squeeze %dma_wait3A_563 : memref<1x16x768xf32, #tpu.memory_space<vmem>> -> memref<16x768xf32, #tpu.memory_space<vmem>>
      %dma_wait3A_565 = arith.constant 0 : i32
      %dma_wait3A_566 = arith.constant 0 : i32
      %dma_wait3A_567 = tpu.memref_slice %arg2[%dma_wait3A_565, %dma_wait3A_566] : memref<8192x768xf32, #tpu.memory_space<hbm>> -> memref<16x768xf32, #tpu.memory_space<hbm>>
      %dma_wait3A_568 = arith.constant 0 : i32
      %dma_wait3A_569 = arith.constant 0 : i32
      %dma_wait3A_570 = tpu.memref_slice %arg6[%dma_wait3A_560, %dma_wait3A_568, %dma_wait3A_569] : memref<8x16x768xf32, #tpu.memory_space<vmem>> -> memref<1x16x768xf32, #tpu.memory_space<vmem>>
      %dma_wait3A_571 = tpu.memref_squeeze %dma_wait3A_570 : memref<1x16x768xf32, #tpu.memory_space<vmem>> -> memref<16x768xf32, #tpu.memory_space<vmem>>
      %dma_wait3A_572 = arith.constant 0 : i32
      %dma_wait3A_573 = arith.constant 0 : i32
      %dma_wait3A_574 = tpu.memref_slice %arg2[%dma_wait3A_572, %dma_wait3A_573] : memref<8192x768xf32, #tpu.memory_space<hbm>> -> memref<16x768xf32, #tpu.memory_space<hbm>>
      tpu.wait_dma2 semaphore(%arg7 : memref<!tpu.dma_semaphore, #tpu.memory_space<semaphore_mem>>) src(%dma_wait3A_574 : memref<16x768xf32, #tpu.memory_space<hbm>>) dst(%dma_wait3A_571 : memref<16x768xf32, #tpu.memory_space<vmem>>)
      %mul3A_575 = arith.constant 16 : i32
      %mul3A_576 = arith.muli %add3A_559, %mul3A_575 : i32
      %add3A_577 = arith.addi %mul3A_2, %mul3A_576 : i32
      %dma_start3A_578 = arith.constant 0 : i32
      %dma_start3A_579 = arith.constant 0 : i32
      %dma_start3A_580 = arith.constant 0 : i32
      %dma_start3A_581 = tpu.memref_slice %arg6[%dma_start3A_578, %dma_start3A_579, %dma_start3A_580] : memref<8x16x768xf32, #tpu.memory_space<vmem>> -> memref<1x16x768xf32, #tpu.memory_space<vmem>>
      %dma_start3A_582 = tpu.memref_squeeze %dma_start3A_581 : memref<1x16x768xf32, #tpu.memory_space<vmem>> -> memref<16x768xf32, #tpu.memory_space<vmem>>
      %dma_start3A_583 = arith.constant 0 : i32
      %dma_start3A_584 = tpu.memref_slice %arg4[%add3A_577, %dma_start3A_583] : memref<32768x768xf32, #tpu.memory_space<hbm>> -> memref<16x768xf32, #tpu.memory_space<hbm>>
      %dma_start3A_585 = arith.constant 0 : i32
      %dma_start3A_586 = tpu.memref_slice %arg4[%add3A_577, %dma_start3A_585] : memref<32768x768xf32, #tpu.memory_space<hbm>> -> memref<16x768xf32, #tpu.memory_space<hbm>>
      %dma_start3A_587 = arith.constant 0 : i32
      %dma_start3A_588 = arith.constant 0 : i32
      %dma_start3A_589 = tpu.memref_slice %arg6[%dma_start3A_578, %dma_start3A_587, %dma_start3A_588] : memref<8x16x768xf32, #tpu.memory_space<vmem>> -> memref<1x16x768xf32, #tpu.memory_space<vmem>>
      %dma_start3A_590 = tpu.memref_squeeze %dma_start3A_589 : memref<1x16x768xf32, #tpu.memory_space<vmem>> -> memref<16x768xf32, #tpu.memory_space<vmem>>
      tpu.enqueue_dma source(%dma_start3A_590 : memref<16x768xf32, #tpu.memory_space<vmem>>) target(%dma_start3A_586 : memref<16x768xf32, #tpu.memory_space<hbm>>) target_semaphore(%arg15 : memref<!tpu.dma_semaphore, #tpu.memory_space<semaphore_mem>>)
      %add3A_591 = arith.constant 4 : i32
      %add3A_592 = arith.addi %add3A_559, %add3A_591 : i32
      %lt3A_593 = arith.constant 64 : i32
      %lt3A_594 = arith.cmpi slt, %add3A_592, %lt3A_593 : i32
      %convert_element_type3A = arith.extui %lt3A_594 : i1 to i32
      %cond3A = arith.constant 0 : i32
      %cond3A_595 = arith.cmpi ne, %convert_element_type3A, %cond3A : i32
      scf.if %cond3A_595 {
        %dma_wait3A_876 = arith.constant 4 : i32
        %dma_wait3A_877 = arith.constant 0 : i32
        %dma_wait3A_878 = arith.constant 0 : i32
        %dma_wait3A_879 = tpu.memref_slice %arg6[%dma_wait3A_876, %dma_wait3A_877, %dma_wait3A_878] : memref<8x16x768xf32, #tpu.memory_space<vmem>> -> memref<1x16x768xf32, #tpu.memory_space<vmem>>
        %dma_wait3A_880 = tpu.memref_squeeze %dma_wait3A_879 : memref<1x16x768xf32, #tpu.memory_space<vmem>> -> memref<16x768xf32, #tpu.memory_space<vmem>>
        %dma_wait3A_881 = arith.constant 0 : i32
        %dma_wait3A_882 = tpu.memref_slice %arg4[%mul3A_2, %dma_wait3A_881] : memref<32768x768xf32, #tpu.memory_space<hbm>> -> memref<16x768xf32, #tpu.memory_space<hbm>>
        %dma_wait3A_883 = arith.constant 0 : i32
        %dma_wait3A_884 = tpu.memref_slice %arg4[%mul3A_2, %dma_wait3A_883] : memref<32768x768xf32, #tpu.memory_space<hbm>> -> memref<16x768xf32, #tpu.memory_space<hbm>>
        %dma_wait3A_885 = arith.constant 0 : i32
        %dma_wait3A_886 = arith.constant 0 : i32
        %dma_wait3A_887 = tpu.memref_slice %arg6[%dma_wait3A_876, %dma_wait3A_885, %dma_wait3A_886] : memref<8x16x768xf32, #tpu.memory_space<vmem>> -> memref<1x16x768xf32, #tpu.memory_space<vmem>>
        %dma_wait3A_888 = tpu.memref_squeeze %dma_wait3A_887 : memref<1x16x768xf32, #tpu.memory_space<vmem>> -> memref<16x768xf32, #tpu.memory_space<vmem>>
        tpu.wait_dma2 semaphore(%arg19 : memref<!tpu.dma_semaphore, #tpu.memory_space<semaphore_mem>>) src(%dma_wait3A_888 : memref<16x768xf32, #tpu.memory_space<vmem>>) dst(%dma_wait3A_884 : memref<16x768xf32, #tpu.memory_space<hbm>>)
        %mul3A_889 = arith.constant 16 : i32
        %mul3A_890 = arith.muli %add3A_592, %mul3A_889 : i32
        %dma_start3A_891 = arith.constant 4 : i32
        %dma_start3A_892 = arith.constant 0 : i32
        %dma_start3A_893 = arith.constant 0 : i32
        %dma_start3A_894 = tpu.memref_slice %arg6[%dma_start3A_891, %dma_start3A_892, %dma_start3A_893] : memref<8x16x768xf32, #tpu.memory_space<vmem>> -> memref<1x16x768xf32, #tpu.memory_space<vmem>>
        %dma_start3A_895 = tpu.memref_squeeze %dma_start3A_894 : memref<1x16x768xf32, #tpu.memory_space<vmem>> -> memref<16x768xf32, #tpu.memory_space<vmem>>
        %dma_start3A_896 = tpu.memref_slice %arg5[%mul3A_890] : memref<1024xi32, #tpu.memory_space<vmem>> -> memref<16xi32, #tpu.memory_space<vmem>>
        %dma_start3A_897 = arith.constant 0 : i32
        %dma_start3A_898 = arith.constant 0 : i32
        %dma_start3A_899 = tpu.memref_slice %arg2[%dma_start3A_897, %dma_start3A_898] : memref<8192x768xf32, #tpu.memory_space<hbm>> -> memref<8192x768xf32, #tpu.memory_space<hbm>>
        tpu.enqueue_indirect_dma source(%dma_start3A_899 : memref<8192x768xf32, #tpu.memory_space<hbm>>) target(%dma_start3A_895 : memref<16x768xf32, #tpu.memory_space<vmem>>) offsets(%dma_start3A_896 : memref<16xi32, #tpu.memory_space<vmem>>) semaphore(%arg11 : memref<!tpu.dma_semaphore, #tpu.memory_space<semaphore_mem>>)
      } else {
      }
      %add3A_596 = arith.constant 1 : i32
      %add3A_597 = arith.addi %add3A_557, %add3A_596 : i32
      %dma_wait3A_598 = arith.constant 1 : i32
      %dma_wait3A_599 = arith.constant 0 : i32
      %dma_wait3A_600 = arith.constant 0 : i32
      %dma_wait3A_601 = tpu.memref_slice %arg6[%dma_wait3A_598, %dma_wait3A_599, %dma_wait3A_600] : memref<8x16x768xf32, #tpu.memory_space<vmem>> -> memref<1x16x768xf32, #tpu.memory_space<vmem>>
      %dma_wait3A_602 = tpu.memref_squeeze %dma_wait3A_601 : memref<1x16x768xf32, #tpu.memory_space<vmem>> -> memref<16x768xf32, #tpu.memory_space<vmem>>
      %dma_wait3A_603 = arith.constant 0 : i32
      %dma_wait3A_604 = arith.constant 0 : i32
      %dma_wait3A_605 = tpu.memref_slice %arg2[%dma_wait3A_603, %dma_wait3A_604] : memref<8192x768xf32, #tpu.memory_space<hbm>> -> memref<16x768xf32, #tpu.memory_space<hbm>>
      %dma_wait3A_606 = arith.constant 0 : i32
      %dma_wait3A_607 = arith.constant 0 : i32
      %dma_wait3A_608 = tpu.memref_slice %arg6[%dma_wait3A_598, %dma_wait3A_606, %dma_wait3A_607] : memref<8x16x768xf32, #tpu.memory_space<vmem>> -> memref<1x16x768xf32, #tpu.memory_space<vmem>>
      %dma_wait3A_609 = tpu.memref_squeeze %dma_wait3A_608 : memref<1x16x768xf32, #tpu.memory_space<vmem>> -> memref<16x768xf32, #tpu.memory_space<vmem>>
      %dma_wait3A_610 = arith.constant 0 : i32
      %dma_wait3A_611 = arith.constant 0 : i32
      %dma_wait3A_612 = tpu.memref_slice %arg2[%dma_wait3A_610, %dma_wait3A_611] : memref<8192x768xf32, #tpu.memory_space<hbm>> -> memref<16x768xf32, #tpu.memory_space<hbm>>
      tpu.wait_dma2 semaphore(%arg8 : memref<!tpu.dma_semaphore, #tpu.memory_space<semaphore_mem>>) src(%dma_wait3A_612 : memref<16x768xf32, #tpu.memory_space<hbm>>) dst(%dma_wait3A_609 : memref<16x768xf32, #tpu.memory_space<vmem>>)
      %mul3A_613 = arith.constant 16 : i32
      %mul3A_614 = arith.muli %add3A_597, %mul3A_613 : i32
      %add3A_615 = arith.addi %mul3A_2, %mul3A_614 : i32
      %dma_start3A_616 = arith.constant 1 : i32
      %dma_start3A_617 = arith.constant 0 : i32
      %dma_start3A_618 = arith.constant 0 : i32
      %dma_start3A_619 = tpu.memref_slice %arg6[%dma_start3A_616, %dma_start3A_617, %dma_start3A_618] : memref<8x16x768xf32, #tpu.memory_space<vmem>> -> memref<1x16x768xf32, #tpu.memory_space<vmem>>
      %dma_start3A_620 = tpu.memref_squeeze %dma_start3A_619 : memref<1x16x768xf32, #tpu.memory_space<vmem>> -> memref<16x768xf32, #tpu.memory_space<vmem>>
      %dma_start3A_621 = arith.constant 0 : i32
      %dma_start3A_622 = tpu.memref_slice %arg4[%add3A_615, %dma_start3A_621] : memref<32768x768xf32, #tpu.memory_space<hbm>> -> memref<16x768xf32, #tpu.memory_space<hbm>>
      %dma_start3A_623 = arith.constant 0 : i32
      %dma_start3A_624 = tpu.memref_slice %arg4[%add3A_615, %dma_start3A_623] : memref<32768x768xf32, #tpu.memory_space<hbm>> -> memref<16x768xf32, #tpu.memory_space<hbm>>
      %dma_start3A_625 = arith.constant 0 : i32
      %dma_start3A_626 = arith.constant 0 : i32
      %dma_start3A_627 = tpu.memref_slice %arg6[%dma_start3A_616, %dma_start3A_625, %dma_start3A_626] : memref<8x16x768xf32, #tpu.memory_space<vmem>> -> memref<1x16x768xf32, #tpu.memory_space<vmem>>
      %dma_start3A_628 = tpu.memref_squeeze %dma_start3A_627 : memref<1x16x768xf32, #tpu.memory_space<vmem>> -> memref<16x768xf32, #tpu.memory_space<vmem>>
      tpu.enqueue_dma source(%dma_start3A_628 : memref<16x768xf32, #tpu.memory_space<vmem>>) target(%dma_start3A_624 : memref<16x768xf32, #tpu.memory_space<hbm>>) target_semaphore(%arg16 : memref<!tpu.dma_semaphore, #tpu.memory_space<semaphore_mem>>)
      %add3A_629 = arith.constant 4 : i32
      %add3A_630 = arith.addi %add3A_597, %add3A_629 : i32
      %lt3A_631 = arith.constant 64 : i32
      %lt3A_632 = arith.cmpi slt, %add3A_630, %lt3A_631 : i32
      %convert_element_type3A_633 = arith.extui %lt3A_632 : i1 to i32
      %cond3A_634 = arith.constant 0 : i32
      %cond3A_635 = arith.cmpi ne, %convert_element_type3A_633, %cond3A_634 : i32
      scf.if %cond3A_635 {
        %dma_wait3A_876 = arith.constant 5 : i32
        %dma_wait3A_877 = arith.constant 0 : i32
        %dma_wait3A_878 = arith.constant 0 : i32
        %dma_wait3A_879 = tpu.memref_slice %arg6[%dma_wait3A_876, %dma_wait3A_877, %dma_wait3A_878] : memref<8x16x768xf32, #tpu.memory_space<vmem>> -> memref<1x16x768xf32, #tpu.memory_space<vmem>>
        %dma_wait3A_880 = tpu.memref_squeeze %dma_wait3A_879 : memref<1x16x768xf32, #tpu.memory_space<vmem>> -> memref<16x768xf32, #tpu.memory_space<vmem>>
        %dma_wait3A_881 = arith.constant 0 : i32
        %dma_wait3A_882 = tpu.memref_slice %arg4[%mul3A_2, %dma_wait3A_881] : memref<32768x768xf32, #tpu.memory_space<hbm>> -> memref<16x768xf32, #tpu.memory_space<hbm>>
        %dma_wait3A_883 = arith.constant 0 : i32
        %dma_wait3A_884 = tpu.memref_slice %arg4[%mul3A_2, %dma_wait3A_883] : memref<32768x768xf32, #tpu.memory_space<hbm>> -> memref<16x768xf32, #tpu.memory_space<hbm>>
        %dma_wait3A_885 = arith.constant 0 : i32
        %dma_wait3A_886 = arith.constant 0 : i32
        %dma_wait3A_887 = tpu.memref_slice %arg6[%dma_wait3A_876, %dma_wait3A_885, %dma_wait3A_886] : memref<8x16x768xf32, #tpu.memory_space<vmem>> -> memref<1x16x768xf32, #tpu.memory_space<vmem>>
        %dma_wait3A_888 = tpu.memref_squeeze %dma_wait3A_887 : memref<1x16x768xf32, #tpu.memory_space<vmem>> -> memref<16x768xf32, #tpu.memory_space<vmem>>
        tpu.wait_dma2 semaphore(%arg20 : memref<!tpu.dma_semaphore, #tpu.memory_space<semaphore_mem>>) src(%dma_wait3A_888 : memref<16x768xf32, #tpu.memory_space<vmem>>) dst(%dma_wait3A_884 : memref<16x768xf32, #tpu.memory_space<hbm>>)
        %mul3A_889 = arith.constant 16 : i32
        %mul3A_890 = arith.muli %add3A_630, %mul3A_889 : i32
        %dma_start3A_891 = arith.constant 5 : i32
        %dma_start3A_892 = arith.constant 0 : i32
        %dma_start3A_893 = arith.constant 0 : i32
        %dma_start3A_894 = tpu.memref_slice %arg6[%dma_start3A_891, %dma_start3A_892, %dma_start3A_893] : memref<8x16x768xf32, #tpu.memory_space<vmem>> -> memref<1x16x768xf32, #tpu.memory_space<vmem>>
        %dma_start3A_895 = tpu.memref_squeeze %dma_start3A_894 : memref<1x16x768xf32, #tpu.memory_space<vmem>> -> memref<16x768xf32, #tpu.memory_space<vmem>>
        %dma_start3A_896 = tpu.memref_slice %arg5[%mul3A_890] : memref<1024xi32, #tpu.memory_space<vmem>> -> memref<16xi32, #tpu.memory_space<vmem>>
        %dma_start3A_897 = arith.constant 0 : i32
        %dma_start3A_898 = arith.constant 0 : i32
        %dma_start3A_899 = tpu.memref_slice %arg2[%dma_start3A_897, %dma_start3A_898] : memref<8192x768xf32, #tpu.memory_space<hbm>> -> memref<8192x768xf32, #tpu.memory_space<hbm>>
        tpu.enqueue_indirect_dma source(%dma_start3A_899 : memref<8192x768xf32, #tpu.memory_space<hbm>>) target(%dma_start3A_895 : memref<16x768xf32, #tpu.memory_space<vmem>>) offsets(%dma_start3A_896 : memref<16xi32, #tpu.memory_space<vmem>>) semaphore(%arg12 : memref<!tpu.dma_semaphore, #tpu.memory_space<semaphore_mem>>)
      } else {
      }
      %add3A_636 = arith.constant 2 : i32
      %add3A_637 = arith.addi %add3A_557, %add3A_636 : i32
      %dma_wait3A_638 = arith.constant 2 : i32
      %dma_wait3A_639 = arith.constant 0 : i32
      %dma_wait3A_640 = arith.constant 0 : i32
      %dma_wait3A_641 = tpu.memref_slice %arg6[%dma_wait3A_638, %dma_wait3A_639, %dma_wait3A_640] : memref<8x16x768xf32, #tpu.memory_space<vmem>> -> memref<1x16x768xf32, #tpu.memory_space<vmem>>
      %dma_wait3A_642 = tpu.memref_squeeze %dma_wait3A_641 : memref<1x16x768xf32, #tpu.memory_space<vmem>> -> memref<16x768xf32, #tpu.memory_space<vmem>>
      %dma_wait3A_643 = arith.constant 0 : i32
      %dma_wait3A_644 = arith.constant 0 : i32
      %dma_wait3A_645 = tpu.memref_slice %arg2[%dma_wait3A_643, %dma_wait3A_644] : memref<8192x768xf32, #tpu.memory_space<hbm>> -> memref<16x768xf32, #tpu.memory_space<hbm>>
      %dma_wait3A_646 = arith.constant 0 : i32
      %dma_wait3A_647 = arith.constant 0 : i32
      %dma_wait3A_648 = tpu.memref_slice %arg6[%dma_wait3A_638, %dma_wait3A_646, %dma_wait3A_647] : memref<8x16x768xf32, #tpu.memory_space<vmem>> -> memref<1x16x768xf32, #tpu.memory_space<vmem>>
      %dma_wait3A_649 = tpu.memref_squeeze %dma_wait3A_648 : memref<1x16x768xf32, #tpu.memory_space<vmem>> -> memref<16x768xf32, #tpu.memory_space<vmem>>
      %dma_wait3A_650 = arith.constant 0 : i32
      %dma_wait3A_651 = arith.constant 0 : i32
      %dma_wait3A_652 = tpu.memref_slice %arg2[%dma_wait3A_650, %dma_wait3A_651] : memref<8192x768xf32, #tpu.memory_space<hbm>> -> memref<16x768xf32, #tpu.memory_space<hbm>>
      tpu.wait_dma2 semaphore(%arg9 : memref<!tpu.dma_semaphore, #tpu.memory_space<semaphore_mem>>) src(%dma_wait3A_652 : memref<16x768xf32, #tpu.memory_space<hbm>>) dst(%dma_wait3A_649 : memref<16x768xf32, #tpu.memory_space<vmem>>)
      %mul3A_653 = arith.constant 16 : i32
      %mul3A_654 = arith.muli %add3A_637, %mul3A_653 : i32
      %add3A_655 = arith.addi %mul3A_2, %mul3A_654 : i32
      %dma_start3A_656 = arith.constant 2 : i32
      %dma_start3A_657 = arith.constant 0 : i32
      %dma_start3A_658 = arith.constant 0 : i32
      %dma_start3A_659 = tpu.memref_slice %arg6[%dma_start3A_656, %dma_start3A_657, %dma_start3A_658] : memref<8x16x768xf32, #tpu.memory_space<vmem>> -> memref<1x16x768xf32, #tpu.memory_space<vmem>>
      %dma_start3A_660 = tpu.memref_squeeze %dma_start3A_659 : memref<1x16x768xf32, #tpu.memory_space<vmem>> -> memref<16x768xf32, #tpu.memory_space<vmem>>
      %dma_start3A_661 = arith.constant 0 : i32
      %dma_start3A_662 = tpu.memref_slice %arg4[%add3A_655, %dma_start3A_661] : memref<32768x768xf32, #tpu.memory_space<hbm>> -> memref<16x768xf32, #tpu.memory_space<hbm>>
      %dma_start3A_663 = arith.constant 0 : i32
      %dma_start3A_664 = tpu.memref_slice %arg4[%add3A_655, %dma_start3A_663] : memref<32768x768xf32, #tpu.memory_space<hbm>> -> memref<16x768xf32, #tpu.memory_space<hbm>>
      %dma_start3A_665 = arith.constant 0 : i32
      %dma_start3A_666 = arith.constant 0 : i32
      %dma_start3A_667 = tpu.memref_slice %arg6[%dma_start3A_656, %dma_start3A_665, %dma_start3A_666] : memref<8x16x768xf32, #tpu.memory_space<vmem>> -> memref<1x16x768xf32, #tpu.memory_space<vmem>>
      %dma_start3A_668 = tpu.memref_squeeze %dma_start3A_667 : memref<1x16x768xf32, #tpu.memory_space<vmem>> -> memref<16x768xf32, #tpu.memory_space<vmem>>
      tpu.enqueue_dma source(%dma_start3A_668 : memref<16x768xf32, #tpu.memory_space<vmem>>) target(%dma_start3A_664 : memref<16x768xf32, #tpu.memory_space<hbm>>) target_semaphore(%arg17 : memref<!tpu.dma_semaphore, #tpu.memory_space<semaphore_mem>>)
      %add3A_669 = arith.constant 4 : i32
      %add3A_670 = arith.addi %add3A_637, %add3A_669 : i32
      %lt3A_671 = arith.constant 64 : i32
      %lt3A_672 = arith.cmpi slt, %add3A_670, %lt3A_671 : i32
      %convert_element_type3A_673 = arith.extui %lt3A_672 : i1 to i32
      %cond3A_674 = arith.constant 0 : i32
      %cond3A_675 = arith.cmpi ne, %convert_element_type3A_673, %cond3A_674 : i32
      scf.if %cond3A_675 {
        %dma_wait3A_876 = arith.constant 6 : i32
        %dma_wait3A_877 = arith.constant 0 : i32
        %dma_wait3A_878 = arith.constant 0 : i32
        %dma_wait3A_879 = tpu.memref_slice %arg6[%dma_wait3A_876, %dma_wait3A_877, %dma_wait3A_878] : memref<8x16x768xf32, #tpu.memory_space<vmem>> -> memref<1x16x768xf32, #tpu.memory_space<vmem>>
        %dma_wait3A_880 = tpu.memref_squeeze %dma_wait3A_879 : memref<1x16x768xf32, #tpu.memory_space<vmem>> -> memref<16x768xf32, #tpu.memory_space<vmem>>
        %dma_wait3A_881 = arith.constant 0 : i32
        %dma_wait3A_882 = tpu.memref_slice %arg4[%mul3A_2, %dma_wait3A_881] : memref<32768x768xf32, #tpu.memory_space<hbm>> -> memref<16x768xf32, #tpu.memory_space<hbm>>
        %dma_wait3A_883 = arith.constant 0 : i32
        %dma_wait3A_884 = tpu.memref_slice %arg4[%mul3A_2, %dma_wait3A_883] : memref<32768x768xf32, #tpu.memory_space<hbm>> -> memref<16x768xf32, #tpu.memory_space<hbm>>
        %dma_wait3A_885 = arith.constant 0 : i32
        %dma_wait3A_886 = arith.constant 0 : i32
        %dma_wait3A_887 = tpu.memref_slice %arg6[%dma_wait3A_876, %dma_wait3A_885, %dma_wait3A_886] : memref<8x16x768xf32, #tpu.memory_space<vmem>> -> memref<1x16x768xf32, #tpu.memory_space<vmem>>
        %dma_wait3A_888 = tpu.memref_squeeze %dma_wait3A_887 : memref<1x16x768xf32, #tpu.memory_space<vmem>> -> memref<16x768xf32, #tpu.memory_space<vmem>>
        tpu.wait_dma2 semaphore(%arg21 : memref<!tpu.dma_semaphore, #tpu.memory_space<semaphore_mem>>) src(%dma_wait3A_888 : memref<16x768xf32, #tpu.memory_space<vmem>>) dst(%dma_wait3A_884 : memref<16x768xf32, #tpu.memory_space<hbm>>)
        %mul3A_889 = arith.constant 16 : i32
        %mul3A_890 = arith.muli %add3A_670, %mul3A_889 : i32
        %dma_start3A_891 = arith.constant 6 : i32
        %dma_start3A_892 = arith.constant 0 : i32
        %dma_start3A_893 = arith.constant 0 : i32
        %dma_start3A_894 = tpu.memref_slice %arg6[%dma_start3A_891, %dma_start3A_892, %dma_start3A_893] : memref<8x16x768xf32, #tpu.memory_space<vmem>> -> memref<1x16x768xf32, #tpu.memory_space<vmem>>
        %dma_start3A_895 = tpu.memref_squeeze %dma_start3A_894 : memref<1x16x768xf32, #tpu.memory_space<vmem>> -> memref<16x768xf32, #tpu.memory_space<vmem>>
        %dma_start3A_896 = tpu.memref_slice %arg5[%mul3A_890] : memref<1024xi32, #tpu.memory_space<vmem>> -> memref<16xi32, #tpu.memory_space<vmem>>
        %dma_start3A_897 = arith.constant 0 : i32
        %dma_start3A_898 = arith.constant 0 : i32
        %dma_start3A_899 = tpu.memref_slice %arg2[%dma_start3A_897, %dma_start3A_898] : memref<8192x768xf32, #tpu.memory_space<hbm>> -> memref<8192x768xf32, #tpu.memory_space<hbm>>
        tpu.enqueue_indirect_dma source(%dma_start3A_899 : memref<8192x768xf32, #tpu.memory_space<hbm>>) target(%dma_start3A_895 : memref<16x768xf32, #tpu.memory_space<vmem>>) offsets(%dma_start3A_896 : memref<16xi32, #tpu.memory_space<vmem>>) semaphore(%arg13 : memref<!tpu.dma_semaphore, #tpu.memory_space<semaphore_mem>>)
      } else {
      }
      %add3A_676 = arith.constant 3 : i32
      %add3A_677 = arith.addi %add3A_557, %add3A_676 : i32
      %dma_wait3A_678 = arith.constant 3 : i32
      %dma_wait3A_679 = arith.constant 0 : i32
      %dma_wait3A_680 = arith.constant 0 : i32
      %dma_wait3A_681 = tpu.memref_slice %arg6[%dma_wait3A_678, %dma_wait3A_679, %dma_wait3A_680] : memref<8x16x768xf32, #tpu.memory_space<vmem>> -> memref<1x16x768xf32, #tpu.memory_space<vmem>>
      %dma_wait3A_682 = tpu.memref_squeeze %dma_wait3A_681 : memref<1x16x768xf32, #tpu.memory_space<vmem>> -> memref<16x768xf32, #tpu.memory_space<vmem>>
      %dma_wait3A_683 = arith.constant 0 : i32
      %dma_wait3A_684 = arith.constant 0 : i32
      %dma_wait3A_685 = tpu.memref_slice %arg2[%dma_wait3A_683, %dma_wait3A_684] : memref<8192x768xf32, #tpu.memory_space<hbm>> -> memref<16x768xf32, #tpu.memory_space<hbm>>
      %dma_wait3A_686 = arith.constant 0 : i32
      %dma_wait3A_687 = arith.constant 0 : i32
      %dma_wait3A_688 = tpu.memref_slice %arg6[%dma_wait3A_678, %dma_wait3A_686, %dma_wait3A_687] : memref<8x16x768xf32, #tpu.memory_space<vmem>> -> memref<1x16x768xf32, #tpu.memory_space<vmem>>
      %dma_wait3A_689 = tpu.memref_squeeze %dma_wait3A_688 : memref<1x16x768xf32, #tpu.memory_space<vmem>> -> memref<16x768xf32, #tpu.memory_space<vmem>>
      %dma_wait3A_690 = arith.constant 0 : i32
      %dma_wait3A_691 = arith.constant 0 : i32
      %dma_wait3A_692 = tpu.memref_slice %arg2[%dma_wait3A_690, %dma_wait3A_691] : memref<8192x768xf32, #tpu.memory_space<hbm>> -> memref<16x768xf32, #tpu.memory_space<hbm>>
      tpu.wait_dma2 semaphore(%arg10 : memref<!tpu.dma_semaphore, #tpu.memory_space<semaphore_mem>>) src(%dma_wait3A_692 : memref<16x768xf32, #tpu.memory_space<hbm>>) dst(%dma_wait3A_689 : memref<16x768xf32, #tpu.memory_space<vmem>>)
      %mul3A_693 = arith.constant 16 : i32
      %mul3A_694 = arith.muli %add3A_677, %mul3A_693 : i32
      %add3A_695 = arith.addi %mul3A_2, %mul3A_694 : i32
      %dma_start3A_696 = arith.constant 3 : i32
      %dma_start3A_697 = arith.constant 0 : i32
      %dma_start3A_698 = arith.constant 0 : i32
      %dma_start3A_699 = tpu.memref_slice %arg6[%dma_start3A_696, %dma_start3A_697, %dma_start3A_698] : memref<8x16x768xf32, #tpu.memory_space<vmem>> -> memref<1x16x768xf32, #tpu.memory_space<vmem>>
      %dma_start3A_700 = tpu.memref_squeeze %dma_start3A_699 : memref<1x16x768xf32, #tpu.memory_space<vmem>> -> memref<16x768xf32, #tpu.memory_space<vmem>>
      %dma_start3A_701 = arith.constant 0 : i32
      %dma_start3A_702 = tpu.memref_slice %arg4[%add3A_695, %dma_start3A_701] : memref<32768x768xf32, #tpu.memory_space<hbm>> -> memref<16x768xf32, #tpu.memory_space<hbm>>
      %dma_start3A_703 = arith.constant 0 : i32
      %dma_start3A_704 = tpu.memref_slice %arg4[%add3A_695, %dma_start3A_703] : memref<32768x768xf32, #tpu.memory_space<hbm>> -> memref<16x768xf32, #tpu.memory_space<hbm>>
      %dma_start3A_705 = arith.constant 0 : i32
      %dma_start3A_706 = arith.constant 0 : i32
      %dma_start3A_707 = tpu.memref_slice %arg6[%dma_start3A_696, %dma_start3A_705, %dma_start3A_706] : memref<8x16x768xf32, #tpu.memory_space<vmem>> -> memref<1x16x768xf32, #tpu.memory_space<vmem>>
      %dma_start3A_708 = tpu.memref_squeeze %dma_start3A_707 : memref<1x16x768xf32, #tpu.memory_space<vmem>> -> memref<16x768xf32, #tpu.memory_space<vmem>>
      tpu.enqueue_dma source(%dma_start3A_708 : memref<16x768xf32, #tpu.memory_space<vmem>>) target(%dma_start3A_704 : memref<16x768xf32, #tpu.memory_space<hbm>>) target_semaphore(%arg18 : memref<!tpu.dma_semaphore, #tpu.memory_space<semaphore_mem>>)
      %add3A_709 = arith.constant 4 : i32
      %add3A_710 = arith.addi %add3A_677, %add3A_709 : i32
      %lt3A_711 = arith.constant 64 : i32
      %lt3A_712 = arith.cmpi slt, %add3A_710, %lt3A_711 : i32
      %convert_element_type3A_713 = arith.extui %lt3A_712 : i1 to i32
      %cond3A_714 = arith.constant 0 : i32
      %cond3A_715 = arith.cmpi ne, %convert_element_type3A_713, %cond3A_714 : i32
      scf.if %cond3A_715 {
        %dma_wait3A_876 = arith.constant 7 : i32
        %dma_wait3A_877 = arith.constant 0 : i32
        %dma_wait3A_878 = arith.constant 0 : i32
        %dma_wait3A_879 = tpu.memref_slice %arg6[%dma_wait3A_876, %dma_wait3A_877, %dma_wait3A_878] : memref<8x16x768xf32, #tpu.memory_space<vmem>> -> memref<1x16x768xf32, #tpu.memory_space<vmem>>
        %dma_wait3A_880 = tpu.memref_squeeze %dma_wait3A_879 : memref<1x16x768xf32, #tpu.memory_space<vmem>> -> memref<16x768xf32, #tpu.memory_space<vmem>>
        %dma_wait3A_881 = arith.constant 0 : i32
        %dma_wait3A_882 = tpu.memref_slice %arg4[%mul3A_2, %dma_wait3A_881] : memref<32768x768xf32, #tpu.memory_space<hbm>> -> memref<16x768xf32, #tpu.memory_space<hbm>>
        %dma_wait3A_883 = arith.constant 0 : i32
        %dma_wait3A_884 = tpu.memref_slice %arg4[%mul3A_2, %dma_wait3A_883] : memref<32768x768xf32, #tpu.memory_space<hbm>> -> memref<16x768xf32, #tpu.memory_space<hbm>>
        %dma_wait3A_885 = arith.constant 0 : i32
        %dma_wait3A_886 = arith.constant 0 : i32
        %dma_wait3A_887 = tpu.memref_slice %arg6[%dma_wait3A_876, %dma_wait3A_885, %dma_wait3A_886] : memref<8x16x768xf32, #tpu.memory_space<vmem>> -> memref<1x16x768xf32, #tpu.memory_space<vmem>>
        %dma_wait3A_888 = tpu.memref_squeeze %dma_wait3A_887 : memref<1x16x768xf32, #tpu.memory_space<vmem>> -> memref<16x768xf32, #tpu.memory_space<vmem>>
        tpu.wait_dma2 semaphore(%arg22 : memref<!tpu.dma_semaphore, #tpu.memory_space<semaphore_mem>>) src(%dma_wait3A_888 : memref<16x768xf32, #tpu.memory_space<vmem>>) dst(%dma_wait3A_884 : memref<16x768xf32, #tpu.memory_space<hbm>>)
        %mul3A_889 = arith.constant 16 : i32
        %mul3A_890 = arith.muli %add3A_710, %mul3A_889 : i32
        %dma_start3A_891 = arith.constant 7 : i32
        %dma_start3A_892 = arith.constant 0 : i32
        %dma_start3A_893 = arith.constant 0 : i32
        %dma_start3A_894 = tpu.memref_slice %arg6[%dma_start3A_891, %dma_start3A_892, %dma_start3A_893] : memref<8x16x768xf32, #tpu.memory_space<vmem>> -> memref<1x16x768xf32, #tpu.memory_space<vmem>>
        %dma_start3A_895 = tpu.memref_squeeze %dma_start3A_894 : memref<1x16x768xf32, #tpu.memory_space<vmem>> -> memref<16x768xf32, #tpu.memory_space<vmem>>
        %dma_start3A_896 = tpu.memref_slice %arg5[%mul3A_890] : memref<1024xi32, #tpu.memory_space<vmem>> -> memref<16xi32, #tpu.memory_space<vmem>>
        %dma_start3A_897 = arith.constant 0 : i32
        %dma_start3A_898 = arith.constant 0 : i32
        %dma_start3A_899 = tpu.memref_slice %arg2[%dma_start3A_897, %dma_start3A_898] : memref<8192x768xf32, #tpu.memory_space<hbm>> -> memref<8192x768xf32, #tpu.memory_space<hbm>>
        tpu.enqueue_indirect_dma source(%dma_start3A_899 : memref<8192x768xf32, #tpu.memory_space<hbm>>) target(%dma_start3A_895 : memref<16x768xf32, #tpu.memory_space<vmem>>) offsets(%dma_start3A_896 : memref<16xi32, #tpu.memory_space<vmem>>) semaphore(%arg14 : memref<!tpu.dma_semaphore, #tpu.memory_space<semaphore_mem>>)
      } else {
      }
      %add3A_716 = arith.constant 4 : i32
      %add3A_717 = arith.addi %add3A_557, %add3A_716 : i32
      %dma_wait3A_718 = arith.constant 4 : i32
      %dma_wait3A_719 = arith.constant 0 : i32
      %dma_wait3A_720 = arith.constant 0 : i32
      %dma_wait3A_721 = tpu.memref_slice %arg6[%dma_wait3A_718, %dma_wait3A_719, %dma_wait3A_720] : memref<8x16x768xf32, #tpu.memory_space<vmem>> -> memref<1x16x768xf32, #tpu.memory_space<vmem>>
      %dma_wait3A_722 = tpu.memref_squeeze %dma_wait3A_721 : memref<1x16x768xf32, #tpu.memory_space<vmem>> -> memref<16x768xf32, #tpu.memory_space<vmem>>
      %dma_wait3A_723 = arith.constant 0 : i32
      %dma_wait3A_724 = arith.constant 0 : i32
      %dma_wait3A_725 = tpu.memref_slice %arg2[%dma_wait3A_723, %dma_wait3A_724] : memref<8192x768xf32, #tpu.memory_space<hbm>> -> memref<16x768xf32, #tpu.memory_space<hbm>>
      %dma_wait3A_726 = arith.constant 0 : i32
      %dma_wait3A_727 = arith.constant 0 : i32
      %dma_wait3A_728 = tpu.memref_slice %arg6[%dma_wait3A_718, %dma_wait3A_726, %dma_wait3A_727] : memref<8x16x768xf32, #tpu.memory_space<vmem>> -> memref<1x16x768xf32, #tpu.memory_space<vmem>>
      %dma_wait3A_729 = tpu.memref_squeeze %dma_wait3A_728 : memref<1x16x768xf32, #tpu.memory_space<vmem>> -> memref<16x768xf32, #tpu.memory_space<vmem>>
      %dma_wait3A_730 = arith.constant 0 : i32
      %dma_wait3A_731 = arith.constant 0 : i32
      %dma_wait3A_732 = tpu.memref_slice %arg2[%dma_wait3A_730, %dma_wait3A_731] : memref<8192x768xf32, #tpu.memory_space<hbm>> -> memref<16x768xf32, #tpu.memory_space<hbm>>
      tpu.wait_dma2 semaphore(%arg11 : memref<!tpu.dma_semaphore, #tpu.memory_space<semaphore_mem>>) src(%dma_wait3A_732 : memref<16x768xf32, #tpu.memory_space<hbm>>) dst(%dma_wait3A_729 : memref<16x768xf32, #tpu.memory_space<vmem>>)
      %mul3A_733 = arith.constant 16 : i32
      %mul3A_734 = arith.muli %add3A_717, %mul3A_733 : i32
      %add3A_735 = arith.addi %mul3A_2, %mul3A_734 : i32
      %dma_start3A_736 = arith.constant 4 : i32
      %dma_start3A_737 = arith.constant 0 : i32
      %dma_start3A_738 = arith.constant 0 : i32
      %dma_start3A_739 = tpu.memref_slice %arg6[%dma_start3A_736, %dma_start3A_737, %dma_start3A_738] : memref<8x16x768xf32, #tpu.memory_space<vmem>> -> memref<1x16x768xf32, #tpu.memory_space<vmem>>
      %dma_start3A_740 = tpu.memref_squeeze %dma_start3A_739 : memref<1x16x768xf32, #tpu.memory_space<vmem>> -> memref<16x768xf32, #tpu.memory_space<vmem>>
      %dma_start3A_741 = arith.constant 0 : i32
      %dma_start3A_742 = tpu.memref_slice %arg4[%add3A_735, %dma_start3A_741] : memref<32768x768xf32, #tpu.memory_space<hbm>> -> memref<16x768xf32, #tpu.memory_space<hbm>>
      %dma_start3A_743 = arith.constant 0 : i32
      %dma_start3A_744 = tpu.memref_slice %arg4[%add3A_735, %dma_start3A_743] : memref<32768x768xf32, #tpu.memory_space<hbm>> -> memref<16x768xf32, #tpu.memory_space<hbm>>
      %dma_start3A_745 = arith.constant 0 : i32
      %dma_start3A_746 = arith.constant 0 : i32
      %dma_start3A_747 = tpu.memref_slice %arg6[%dma_start3A_736, %dma_start3A_745, %dma_start3A_746] : memref<8x16x768xf32, #tpu.memory_space<vmem>> -> memref<1x16x768xf32, #tpu.memory_space<vmem>>
      %dma_start3A_748 = tpu.memref_squeeze %dma_start3A_747 : memref<1x16x768xf32, #tpu.memory_space<vmem>> -> memref<16x768xf32, #tpu.memory_space<vmem>>
      tpu.enqueue_dma source(%dma_start3A_748 : memref<16x768xf32, #tpu.memory_space<vmem>>) target(%dma_start3A_744 : memref<16x768xf32, #tpu.memory_space<hbm>>) target_semaphore(%arg19 : memref<!tpu.dma_semaphore, #tpu.memory_space<semaphore_mem>>)
      %add3A_749 = arith.constant 4 : i32
      %add3A_750 = arith.addi %add3A_717, %add3A_749 : i32
      %lt3A_751 = arith.constant 64 : i32
      %lt3A_752 = arith.cmpi slt, %add3A_750, %lt3A_751 : i32
      %convert_element_type3A_753 = arith.extui %lt3A_752 : i1 to i32
      %cond3A_754 = arith.constant 0 : i32
      %cond3A_755 = arith.cmpi ne, %convert_element_type3A_753, %cond3A_754 : i32
      scf.if %cond3A_755 {
        %dma_wait3A_876 = arith.constant 0 : i32
        %dma_wait3A_877 = arith.constant 0 : i32
        %dma_wait3A_878 = arith.constant 0 : i32
        %dma_wait3A_879 = tpu.memref_slice %arg6[%dma_wait3A_876, %dma_wait3A_877, %dma_wait3A_878] : memref<8x16x768xf32, #tpu.memory_space<vmem>> -> memref<1x16x768xf32, #tpu.memory_space<vmem>>
        %dma_wait3A_880 = tpu.memref_squeeze %dma_wait3A_879 : memref<1x16x768xf32, #tpu.memory_space<vmem>> -> memref<16x768xf32, #tpu.memory_space<vmem>>
        %dma_wait3A_881 = arith.constant 0 : i32
        %dma_wait3A_882 = tpu.memref_slice %arg4[%mul3A_2, %dma_wait3A_881] : memref<32768x768xf32, #tpu.memory_space<hbm>> -> memref<16x768xf32, #tpu.memory_space<hbm>>
        %dma_wait3A_883 = arith.constant 0 : i32
        %dma_wait3A_884 = tpu.memref_slice %arg4[%mul3A_2, %dma_wait3A_883] : memref<32768x768xf32, #tpu.memory_space<hbm>> -> memref<16x768xf32, #tpu.memory_space<hbm>>
        %dma_wait3A_885 = arith.constant 0 : i32
        %dma_wait3A_886 = arith.constant 0 : i32
        %dma_wait3A_887 = tpu.memref_slice %arg6[%dma_wait3A_876, %dma_wait3A_885, %dma_wait3A_886] : memref<8x16x768xf32, #tpu.memory_space<vmem>> -> memref<1x16x768xf32, #tpu.memory_space<vmem>>
        %dma_wait3A_888 = tpu.memref_squeeze %dma_wait3A_887 : memref<1x16x768xf32, #tpu.memory_space<vmem>> -> memref<16x768xf32, #tpu.memory_space<vmem>>
        tpu.wait_dma2 semaphore(%arg15 : memref<!tpu.dma_semaphore, #tpu.memory_space<semaphore_mem>>) src(%dma_wait3A_888 : memref<16x768xf32, #tpu.memory_space<vmem>>) dst(%dma_wait3A_884 : memref<16x768xf32, #tpu.memory_space<hbm>>)
        %mul3A_889 = arith.constant 16 : i32
        %mul3A_890 = arith.muli %add3A_750, %mul3A_889 : i32
        %dma_start3A_891 = arith.constant 0 : i32
        %dma_start3A_892 = arith.constant 0 : i32
        %dma_start3A_893 = arith.constant 0 : i32
        %dma_start3A_894 = tpu.memref_slice %arg6[%dma_start3A_891, %dma_start3A_892, %dma_start3A_893] : memref<8x16x768xf32, #tpu.memory_space<vmem>> -> memref<1x16x768xf32, #tpu.memory_space<vmem>>
        %dma_start3A_895 = tpu.memref_squeeze %dma_start3A_894 : memref<1x16x768xf32, #tpu.memory_space<vmem>> -> memref<16x768xf32, #tpu.memory_space<vmem>>
        %dma_start3A_896 = tpu.memref_slice %arg5[%mul3A_890] : memref<1024xi32, #tpu.memory_space<vmem>> -> memref<16xi32, #tpu.memory_space<vmem>>
        %dma_start3A_897 = arith.constant 0 : i32
        %dma_start3A_898 = arith.constant 0 : i32
        %dma_start3A_899 = tpu.memref_slice %arg2[%dma_start3A_897, %dma_start3A_898] : memref<8192x768xf32, #tpu.memory_space<hbm>> -> memref<8192x768xf32, #tpu.memory_space<hbm>>
        tpu.enqueue_indirect_dma source(%dma_start3A_899 : memref<8192x768xf32, #tpu.memory_space<hbm>>) target(%dma_start3A_895 : memref<16x768xf32, #tpu.memory_space<vmem>>) offsets(%dma_start3A_896 : memref<16xi32, #tpu.memory_space<vmem>>) semaphore(%arg7 : memref<!tpu.dma_semaphore, #tpu.memory_space<semaphore_mem>>)
      } else {
      }
      %add3A_756 = arith.constant 5 : i32
      %add3A_757 = arith.addi %add3A_557, %add3A_756 : i32
      %dma_wait3A_758 = arith.constant 5 : i32
      %dma_wait3A_759 = arith.constant 0 : i32
      %dma_wait3A_760 = arith.constant 0 : i32
      %dma_wait3A_761 = tpu.memref_slice %arg6[%dma_wait3A_758, %dma_wait3A_759, %dma_wait3A_760] : memref<8x16x768xf32, #tpu.memory_space<vmem>> -> memref<1x16x768xf32, #tpu.memory_space<vmem>>
      %dma_wait3A_762 = tpu.memref_squeeze %dma_wait3A_761 : memref<1x16x768xf32, #tpu.memory_space<vmem>> -> memref<16x768xf32, #tpu.memory_space<vmem>>
      %dma_wait3A_763 = arith.constant 0 : i32
      %dma_wait3A_764 = arith.constant 0 : i32
      %dma_wait3A_765 = tpu.memref_slice %arg2[%dma_wait3A_763, %dma_wait3A_764] : memref<8192x768xf32, #tpu.memory_space<hbm>> -> memref<16x768xf32, #tpu.memory_space<hbm>>
      %dma_wait3A_766 = arith.constant 0 : i32
      %dma_wait3A_767 = arith.constant 0 : i32
      %dma_wait3A_768 = tpu.memref_slice %arg6[%dma_wait3A_758, %dma_wait3A_766, %dma_wait3A_767] : memref<8x16x768xf32, #tpu.memory_space<vmem>> -> memref<1x16x768xf32, #tpu.memory_space<vmem>>
      %dma_wait3A_769 = tpu.memref_squeeze %dma_wait3A_768 : memref<1x16x768xf32, #tpu.memory_space<vmem>> -> memref<16x768xf32, #tpu.memory_space<vmem>>
      %dma_wait3A_770 = arith.constant 0 : i32
      %dma_wait3A_771 = arith.constant 0 : i32
      %dma_wait3A_772 = tpu.memref_slice %arg2[%dma_wait3A_770, %dma_wait3A_771] : memref<8192x768xf32, #tpu.memory_space<hbm>> -> memref<16x768xf32, #tpu.memory_space<hbm>>
      tpu.wait_dma2 semaphore(%arg12 : memref<!tpu.dma_semaphore, #tpu.memory_space<semaphore_mem>>) src(%dma_wait3A_772 : memref<16x768xf32, #tpu.memory_space<hbm>>) dst(%dma_wait3A_769 : memref<16x768xf32, #tpu.memory_space<vmem>>)
      %mul3A_773 = arith.constant 16 : i32
      %mul3A_774 = arith.muli %add3A_757, %mul3A_773 : i32
      %add3A_775 = arith.addi %mul3A_2, %mul3A_774 : i32
      %dma_start3A_776 = arith.constant 5 : i32
      %dma_start3A_777 = arith.constant 0 : i32
      %dma_start3A_778 = arith.constant 0 : i32
      %dma_start3A_779 = tpu.memref_slice %arg6[%dma_start3A_776, %dma_start3A_777, %dma_start3A_778] : memref<8x16x768xf32, #tpu.memory_space<vmem>> -> memref<1x16x768xf32, #tpu.memory_space<vmem>>
      %dma_start3A_780 = tpu.memref_squeeze %dma_start3A_779 : memref<1x16x768xf32, #tpu.memory_space<vmem>> -> memref<16x768xf32, #tpu.memory_space<vmem>>
      %dma_start3A_781 = arith.constant 0 : i32
      %dma_start3A_782 = tpu.memref_slice %arg4[%add3A_775, %dma_start3A_781] : memref<32768x768xf32, #tpu.memory_space<hbm>> -> memref<16x768xf32, #tpu.memory_space<hbm>>
      %dma_start3A_783 = arith.constant 0 : i32
      %dma_start3A_784 = tpu.memref_slice %arg4[%add3A_775, %dma_start3A_783] : memref<32768x768xf32, #tpu.memory_space<hbm>> -> memref<16x768xf32, #tpu.memory_space<hbm>>
      %dma_start3A_785 = arith.constant 0 : i32
      %dma_start3A_786 = arith.constant 0 : i32
      %dma_start3A_787 = tpu.memref_slice %arg6[%dma_start3A_776, %dma_start3A_785, %dma_start3A_786] : memref<8x16x768xf32, #tpu.memory_space<vmem>> -> memref<1x16x768xf32, #tpu.memory_space<vmem>>
      %dma_start3A_788 = tpu.memref_squeeze %dma_start3A_787 : memref<1x16x768xf32, #tpu.memory_space<vmem>> -> memref<16x768xf32, #tpu.memory_space<vmem>>
      tpu.enqueue_dma source(%dma_start3A_788 : memref<16x768xf32, #tpu.memory_space<vmem>>) target(%dma_start3A_784 : memref<16x768xf32, #tpu.memory_space<hbm>>) target_semaphore(%arg20 : memref<!tpu.dma_semaphore, #tpu.memory_space<semaphore_mem>>)
      %add3A_789 = arith.constant 4 : i32
      %add3A_790 = arith.addi %add3A_757, %add3A_789 : i32
      %lt3A_791 = arith.constant 64 : i32
      %lt3A_792 = arith.cmpi slt, %add3A_790, %lt3A_791 : i32
      %convert_element_type3A_793 = arith.extui %lt3A_792 : i1 to i32
      %cond3A_794 = arith.constant 0 : i32
      %cond3A_795 = arith.cmpi ne, %convert_element_type3A_793, %cond3A_794 : i32
      scf.if %cond3A_795 {
        %dma_wait3A_876 = arith.constant 1 : i32
        %dma_wait3A_877 = arith.constant 0 : i32
        %dma_wait3A_878 = arith.constant 0 : i32
        %dma_wait3A_879 = tpu.memref_slice %arg6[%dma_wait3A_876, %dma_wait3A_877, %dma_wait3A_878] : memref<8x16x768xf32, #tpu.memory_space<vmem>> -> memref<1x16x768xf32, #tpu.memory_space<vmem>>
        %dma_wait3A_880 = tpu.memref_squeeze %dma_wait3A_879 : memref<1x16x768xf32, #tpu.memory_space<vmem>> -> memref<16x768xf32, #tpu.memory_space<vmem>>
        %dma_wait3A_881 = arith.constant 0 : i32
        %dma_wait3A_882 = tpu.memref_slice %arg4[%mul3A_2, %dma_wait3A_881] : memref<32768x768xf32, #tpu.memory_space<hbm>> -> memref<16x768xf32, #tpu.memory_space<hbm>>
        %dma_wait3A_883 = arith.constant 0 : i32
        %dma_wait3A_884 = tpu.memref_slice %arg4[%mul3A_2, %dma_wait3A_883] : memref<32768x768xf32, #tpu.memory_space<hbm>> -> memref<16x768xf32, #tpu.memory_space<hbm>>
        %dma_wait3A_885 = arith.constant 0 : i32
        %dma_wait3A_886 = arith.constant 0 : i32
        %dma_wait3A_887 = tpu.memref_slice %arg6[%dma_wait3A_876, %dma_wait3A_885, %dma_wait3A_886] : memref<8x16x768xf32, #tpu.memory_space<vmem>> -> memref<1x16x768xf32, #tpu.memory_space<vmem>>
        %dma_wait3A_888 = tpu.memref_squeeze %dma_wait3A_887 : memref<1x16x768xf32, #tpu.memory_space<vmem>> -> memref<16x768xf32, #tpu.memory_space<vmem>>
        tpu.wait_dma2 semaphore(%arg16 : memref<!tpu.dma_semaphore, #tpu.memory_space<semaphore_mem>>) src(%dma_wait3A_888 : memref<16x768xf32, #tpu.memory_space<vmem>>) dst(%dma_wait3A_884 : memref<16x768xf32, #tpu.memory_space<hbm>>)
        %mul3A_889 = arith.constant 16 : i32
        %mul3A_890 = arith.muli %add3A_790, %mul3A_889 : i32
        %dma_start3A_891 = arith.constant 1 : i32
        %dma_start3A_892 = arith.constant 0 : i32
        %dma_start3A_893 = arith.constant 0 : i32
        %dma_start3A_894 = tpu.memref_slice %arg6[%dma_start3A_891, %dma_start3A_892, %dma_start3A_893] : memref<8x16x768xf32, #tpu.memory_space<vmem>> -> memref<1x16x768xf32, #tpu.memory_space<vmem>>
        %dma_start3A_895 = tpu.memref_squeeze %dma_start3A_894 : memref<1x16x768xf32, #tpu.memory_space<vmem>> -> memref<16x768xf32, #tpu.memory_space<vmem>>
        %dma_start3A_896 = tpu.memref_slice %arg5[%mul3A_890] : memref<1024xi32, #tpu.memory_space<vmem>> -> memref<16xi32, #tpu.memory_space<vmem>>
        %dma_start3A_897 = arith.constant 0 : i32
        %dma_start3A_898 = arith.constant 0 : i32
        %dma_start3A_899 = tpu.memref_slice %arg2[%dma_start3A_897, %dma_start3A_898] : memref<8192x768xf32, #tpu.memory_space<hbm>> -> memref<8192x768xf32, #tpu.memory_space<hbm>>
        tpu.enqueue_indirect_dma source(%dma_start3A_899 : memref<8192x768xf32, #tpu.memory_space<hbm>>) target(%dma_start3A_895 : memref<16x768xf32, #tpu.memory_space<vmem>>) offsets(%dma_start3A_896 : memref<16xi32, #tpu.memory_space<vmem>>) semaphore(%arg8 : memref<!tpu.dma_semaphore, #tpu.memory_space<semaphore_mem>>)
      } else {
      }
      %add3A_796 = arith.constant 6 : i32
      %add3A_797 = arith.addi %add3A_557, %add3A_796 : i32
      %dma_wait3A_798 = arith.constant 6 : i32
      %dma_wait3A_799 = arith.constant 0 : i32
      %dma_wait3A_800 = arith.constant 0 : i32
      %dma_wait3A_801 = tpu.memref_slice %arg6[%dma_wait3A_798, %dma_wait3A_799, %dma_wait3A_800] : memref<8x16x768xf32, #tpu.memory_space<vmem>> -> memref<1x16x768xf32, #tpu.memory_space<vmem>>
      %dma_wait3A_802 = tpu.memref_squeeze %dma_wait3A_801 : memref<1x16x768xf32, #tpu.memory_space<vmem>> -> memref<16x768xf32, #tpu.memory_space<vmem>>
      %dma_wait3A_803 = arith.constant 0 : i32
      %dma_wait3A_804 = arith.constant 0 : i32
      %dma_wait3A_805 = tpu.memref_slice %arg2[%dma_wait3A_803, %dma_wait3A_804] : memref<8192x768xf32, #tpu.memory_space<hbm>> -> memref<16x768xf32, #tpu.memory_space<hbm>>
      %dma_wait3A_806 = arith.constant 0 : i32
      %dma_wait3A_807 = arith.constant 0 : i32
      %dma_wait3A_808 = tpu.memref_slice %arg6[%dma_wait3A_798, %dma_wait3A_806, %dma_wait3A_807] : memref<8x16x768xf32, #tpu.memory_space<vmem>> -> memref<1x16x768xf32, #tpu.memory_space<vmem>>
      %dma_wait3A_809 = tpu.memref_squeeze %dma_wait3A_808 : memref<1x16x768xf32, #tpu.memory_space<vmem>> -> memref<16x768xf32, #tpu.memory_space<vmem>>
      %dma_wait3A_810 = arith.constant 0 : i32
      %dma_wait3A_811 = arith.constant 0 : i32
      %dma_wait3A_812 = tpu.memref_slice %arg2[%dma_wait3A_810, %dma_wait3A_811] : memref<8192x768xf32, #tpu.memory_space<hbm>> -> memref<16x768xf32, #tpu.memory_space<hbm>>
      tpu.wait_dma2 semaphore(%arg13 : memref<!tpu.dma_semaphore, #tpu.memory_space<semaphore_mem>>) src(%dma_wait3A_812 : memref<16x768xf32, #tpu.memory_space<hbm>>) dst(%dma_wait3A_809 : memref<16x768xf32, #tpu.memory_space<vmem>>)
      %mul3A_813 = arith.constant 16 : i32
      %mul3A_814 = arith.muli %add3A_797, %mul3A_813 : i32
      %add3A_815 = arith.addi %mul3A_2, %mul3A_814 : i32
      %dma_start3A_816 = arith.constant 6 : i32
      %dma_start3A_817 = arith.constant 0 : i32
      %dma_start3A_818 = arith.constant 0 : i32
      %dma_start3A_819 = tpu.memref_slice %arg6[%dma_start3A_816, %dma_start3A_817, %dma_start3A_818] : memref<8x16x768xf32, #tpu.memory_space<vmem>> -> memref<1x16x768xf32, #tpu.memory_space<vmem>>
      %dma_start3A_820 = tpu.memref_squeeze %dma_start3A_819 : memref<1x16x768xf32, #tpu.memory_space<vmem>> -> memref<16x768xf32, #tpu.memory_space<vmem>>
      %dma_start3A_821 = arith.constant 0 : i32
      %dma_start3A_822 = tpu.memref_slice %arg4[%add3A_815, %dma_start3A_821] : memref<32768x768xf32, #tpu.memory_space<hbm>> -> memref<16x768xf32, #tpu.memory_space<hbm>>
      %dma_start3A_823 = arith.constant 0 : i32
      %dma_start3A_824 = tpu.memref_slice %arg4[%add3A_815, %dma_start3A_823] : memref<32768x768xf32, #tpu.memory_space<hbm>> -> memref<16x768xf32, #tpu.memory_space<hbm>>
      %dma_start3A_825 = arith.constant 0 : i32
      %dma_start3A_826 = arith.constant 0 : i32
      %dma_start3A_827 = tpu.memref_slice %arg6[%dma_start3A_816, %dma_start3A_825, %dma_start3A_826] : memref<8x16x768xf32, #tpu.memory_space<vmem>> -> memref<1x16x768xf32, #tpu.memory_space<vmem>>
      %dma_start3A_828 = tpu.memref_squeeze %dma_start3A_827 : memref<1x16x768xf32, #tpu.memory_space<vmem>> -> memref<16x768xf32, #tpu.memory_space<vmem>>
      tpu.enqueue_dma source(%dma_start3A_828 : memref<16x768xf32, #tpu.memory_space<vmem>>) target(%dma_start3A_824 : memref<16x768xf32, #tpu.memory_space<hbm>>) target_semaphore(%arg21 : memref<!tpu.dma_semaphore, #tpu.memory_space<semaphore_mem>>)
      %add3A_829 = arith.constant 4 : i32
      %add3A_830 = arith.addi %add3A_797, %add3A_829 : i32
      %lt3A_831 = arith.constant 64 : i32
      %lt3A_832 = arith.cmpi slt, %add3A_830, %lt3A_831 : i32
      %convert_element_type3A_833 = arith.extui %lt3A_832 : i1 to i32
      %cond3A_834 = arith.constant 0 : i32
      %cond3A_835 = arith.cmpi ne, %convert_element_type3A_833, %cond3A_834 : i32
      scf.if %cond3A_835 {
        %dma_wait3A_876 = arith.constant 2 : i32
        %dma_wait3A_877 = arith.constant 0 : i32
        %dma_wait3A_878 = arith.constant 0 : i32
        %dma_wait3A_879 = tpu.memref_slice %arg6[%dma_wait3A_876, %dma_wait3A_877, %dma_wait3A_878] : memref<8x16x768xf32, #tpu.memory_space<vmem>> -> memref<1x16x768xf32, #tpu.memory_space<vmem>>
        %dma_wait3A_880 = tpu.memref_squeeze %dma_wait3A_879 : memref<1x16x768xf32, #tpu.memory_space<vmem>> -> memref<16x768xf32, #tpu.memory_space<vmem>>
        %dma_wait3A_881 = arith.constant 0 : i32
        %dma_wait3A_882 = tpu.memref_slice %arg4[%mul3A_2, %dma_wait3A_881] : memref<32768x768xf32, #tpu.memory_space<hbm>> -> memref<16x768xf32, #tpu.memory_space<hbm>>
        %dma_wait3A_883 = arith.constant 0 : i32
        %dma_wait3A_884 = tpu.memref_slice %arg4[%mul3A_2, %dma_wait3A_883] : memref<32768x768xf32, #tpu.memory_space<hbm>> -> memref<16x768xf32, #tpu.memory_space<hbm>>
        %dma_wait3A_885 = arith.constant 0 : i32
        %dma_wait3A_886 = arith.constant 0 : i32
        %dma_wait3A_887 = tpu.memref_slice %arg6[%dma_wait3A_876, %dma_wait3A_885, %dma_wait3A_886] : memref<8x16x768xf32, #tpu.memory_space<vmem>> -> memref<1x16x768xf32, #tpu.memory_space<vmem>>
        %dma_wait3A_888 = tpu.memref_squeeze %dma_wait3A_887 : memref<1x16x768xf32, #tpu.memory_space<vmem>> -> memref<16x768xf32, #tpu.memory_space<vmem>>
        tpu.wait_dma2 semaphore(%arg17 : memref<!tpu.dma_semaphore, #tpu.memory_space<semaphore_mem>>) src(%dma_wait3A_888 : memref<16x768xf32, #tpu.memory_space<vmem>>) dst(%dma_wait3A_884 : memref<16x768xf32, #tpu.memory_space<hbm>>)
        %mul3A_889 = arith.constant 16 : i32
        %mul3A_890 = arith.muli %add3A_830, %mul3A_889 : i32
        %dma_start3A_891 = arith.constant 2 : i32
        %dma_start3A_892 = arith.constant 0 : i32
        %dma_start3A_893 = arith.constant 0 : i32
        %dma_start3A_894 = tpu.memref_slice %arg6[%dma_start3A_891, %dma_start3A_892, %dma_start3A_893] : memref<8x16x768xf32, #tpu.memory_space<vmem>> -> memref<1x16x768xf32, #tpu.memory_space<vmem>>
        %dma_start3A_895 = tpu.memref_squeeze %dma_start3A_894 : memref<1x16x768xf32, #tpu.memory_space<vmem>> -> memref<16x768xf32, #tpu.memory_space<vmem>>
        %dma_start3A_896 = tpu.memref_slice %arg5[%mul3A_890] : memref<1024xi32, #tpu.memory_space<vmem>> -> memref<16xi32, #tpu.memory_space<vmem>>
        %dma_start3A_897 = arith.constant 0 : i32
        %dma_start3A_898 = arith.constant 0 : i32
        %dma_start3A_899 = tpu.memref_slice %arg2[%dma_start3A_897, %dma_start3A_898] : memref<8192x768xf32, #tpu.memory_space<hbm>> -> memref<8192x768xf32, #tpu.memory_space<hbm>>
        tpu.enqueue_indirect_dma source(%dma_start3A_899 : memref<8192x768xf32, #tpu.memory_space<hbm>>) target(%dma_start3A_895 : memref<16x768xf32, #tpu.memory_space<vmem>>) offsets(%dma_start3A_896 : memref<16xi32, #tpu.memory_space<vmem>>) semaphore(%arg9 : memref<!tpu.dma_semaphore, #tpu.memory_space<semaphore_mem>>)
      } else {
      }
      %add3A_836 = arith.constant 7 : i32
      %add3A_837 = arith.addi %add3A_557, %add3A_836 : i32
      %dma_wait3A_838 = arith.constant 7 : i32
      %dma_wait3A_839 = arith.constant 0 : i32
      %dma_wait3A_840 = arith.constant 0 : i32
      %dma_wait3A_841 = tpu.memref_slice %arg6[%dma_wait3A_838, %dma_wait3A_839, %dma_wait3A_840] : memref<8x16x768xf32, #tpu.memory_space<vmem>> -> memref<1x16x768xf32, #tpu.memory_space<vmem>>
      %dma_wait3A_842 = tpu.memref_squeeze %dma_wait3A_841 : memref<1x16x768xf32, #tpu.memory_space<vmem>> -> memref<16x768xf32, #tpu.memory_space<vmem>>
      %dma_wait3A_843 = arith.constant 0 : i32
      %dma_wait3A_844 = arith.constant 0 : i32
      %dma_wait3A_845 = tpu.memref_slice %arg2[%dma_wait3A_843, %dma_wait3A_844] : memref<8192x768xf32, #tpu.memory_space<hbm>> -> memref<16x768xf32, #tpu.memory_space<hbm>>
      %dma_wait3A_846 = arith.constant 0 : i32
      %dma_wait3A_847 = arith.constant 0 : i32
      %dma_wait3A_848 = tpu.memref_slice %arg6[%dma_wait3A_838, %dma_wait3A_846, %dma_wait3A_847] : memref<8x16x768xf32, #tpu.memory_space<vmem>> -> memref<1x16x768xf32, #tpu.memory_space<vmem>>
      %dma_wait3A_849 = tpu.memref_squeeze %dma_wait3A_848 : memref<1x16x768xf32, #tpu.memory_space<vmem>> -> memref<16x768xf32, #tpu.memory_space<vmem>>
      %dma_wait3A_850 = arith.constant 0 : i32
      %dma_wait3A_851 = arith.constant 0 : i32
      %dma_wait3A_852 = tpu.memref_slice %arg2[%dma_wait3A_850, %dma_wait3A_851] : memref<8192x768xf32, #tpu.memory_space<hbm>> -> memref<16x768xf32, #tpu.memory_space<hbm>>
      tpu.wait_dma2 semaphore(%arg14 : memref<!tpu.dma_semaphore, #tpu.memory_space<semaphore_mem>>) src(%dma_wait3A_852 : memref<16x768xf32, #tpu.memory_space<hbm>>) dst(%dma_wait3A_849 : memref<16x768xf32, #tpu.memory_space<vmem>>)
      %mul3A_853 = arith.constant 16 : i32
      %mul3A_854 = arith.muli %add3A_837, %mul3A_853 : i32
      %add3A_855 = arith.addi %mul3A_2, %mul3A_854 : i32
      %dma_start3A_856 = arith.constant 7 : i32
      %dma_start3A_857 = arith.constant 0 : i32
      %dma_start3A_858 = arith.constant 0 : i32
      %dma_start3A_859 = tpu.memref_slice %arg6[%dma_start3A_856, %dma_start3A_857, %dma_start3A_858] : memref<8x16x768xf32, #tpu.memory_space<vmem>> -> memref<1x16x768xf32, #tpu.memory_space<vmem>>
      %dma_start3A_860 = tpu.memref_squeeze %dma_start3A_859 : memref<1x16x768xf32, #tpu.memory_space<vmem>> -> memref<16x768xf32, #tpu.memory_space<vmem>>
      %dma_start3A_861 = arith.constant 0 : i32
      %dma_start3A_862 = tpu.memref_slice %arg4[%add3A_855, %dma_start3A_861] : memref<32768x768xf32, #tpu.memory_space<hbm>> -> memref<16x768xf32, #tpu.memory_space<hbm>>
      %dma_start3A_863 = arith.constant 0 : i32
      %dma_start3A_864 = tpu.memref_slice %arg4[%add3A_855, %dma_start3A_863] : memref<32768x768xf32, #tpu.memory_space<hbm>> -> memref<16x768xf32, #tpu.memory_space<hbm>>
      %dma_start3A_865 = arith.constant 0 : i32
      %dma_start3A_866 = arith.constant 0 : i32
      %dma_start3A_867 = tpu.memref_slice %arg6[%dma_start3A_856, %dma_start3A_865, %dma_start3A_866] : memref<8x16x768xf32, #tpu.memory_space<vmem>> -> memref<1x16x768xf32, #tpu.memory_space<vmem>>
      %dma_start3A_868 = tpu.memref_squeeze %dma_start3A_867 : memref<1x16x768xf32, #tpu.memory_space<vmem>> -> memref<16x768xf32, #tpu.memory_space<vmem>>
      tpu.enqueue_dma source(%dma_start3A_868 : memref<16x768xf32, #tpu.memory_space<vmem>>) target(%dma_start3A_864 : memref<16x768xf32, #tpu.memory_space<hbm>>) target_semaphore(%arg22 : memref<!tpu.dma_semaphore, #tpu.memory_space<semaphore_mem>>)
      %add3A_869 = arith.constant 4 : i32
      %add3A_870 = arith.addi %add3A_837, %add3A_869 : i32
      %lt3A_871 = arith.constant 64 : i32
      %lt3A_872 = arith.cmpi slt, %add3A_870, %lt3A_871 : i32
      %convert_element_type3A_873 = arith.extui %lt3A_872 : i1 to i32
      %cond3A_874 = arith.constant 0 : i32
      %cond3A_875 = arith.cmpi ne, %convert_element_type3A_873, %cond3A_874 : i32
      scf.if %cond3A_875 {
        %dma_wait3A_876 = arith.constant 3 : i32
        %dma_wait3A_877 = arith.constant 0 : i32
        %dma_wait3A_878 = arith.constant 0 : i32
        %dma_wait3A_879 = tpu.memref_slice %arg6[%dma_wait3A_876, %dma_wait3A_877, %dma_wait3A_878] : memref<8x16x768xf32, #tpu.memory_space<vmem>> -> memref<1x16x768xf32, #tpu.memory_space<vmem>>
        %dma_wait3A_880 = tpu.memref_squeeze %dma_wait3A_879 : memref<1x16x768xf32, #tpu.memory_space<vmem>> -> memref<16x768xf32, #tpu.memory_space<vmem>>
        %dma_wait3A_881 = arith.constant 0 : i32
        %dma_wait3A_882 = tpu.memref_slice %arg4[%mul3A_2, %dma_wait3A_881] : memref<32768x768xf32, #tpu.memory_space<hbm>> -> memref<16x768xf32, #tpu.memory_space<hbm>>
        %dma_wait3A_883 = arith.constant 0 : i32
        %dma_wait3A_884 = tpu.memref_slice %arg4[%mul3A_2, %dma_wait3A_883] : memref<32768x768xf32, #tpu.memory_space<hbm>> -> memref<16x768xf32, #tpu.memory_space<hbm>>
        %dma_wait3A_885 = arith.constant 0 : i32
        %dma_wait3A_886 = arith.constant 0 : i32
        %dma_wait3A_887 = tpu.memref_slice %arg6[%dma_wait3A_876, %dma_wait3A_885, %dma_wait3A_886] : memref<8x16x768xf32, #tpu.memory_space<vmem>> -> memref<1x16x768xf32, #tpu.memory_space<vmem>>
        %dma_wait3A_888 = tpu.memref_squeeze %dma_wait3A_887 : memref<1x16x768xf32, #tpu.memory_space<vmem>> -> memref<16x768xf32, #tpu.memory_space<vmem>>
        tpu.wait_dma2 semaphore(%arg18 : memref<!tpu.dma_semaphore, #tpu.memory_space<semaphore_mem>>) src(%dma_wait3A_888 : memref<16x768xf32, #tpu.memory_space<vmem>>) dst(%dma_wait3A_884 : memref<16x768xf32, #tpu.memory_space<hbm>>)
        %mul3A_889 = arith.constant 16 : i32
        %mul3A_890 = arith.muli %add3A_870, %mul3A_889 : i32
        %dma_start3A_891 = arith.constant 3 : i32
        %dma_start3A_892 = arith.constant 0 : i32
        %dma_start3A_893 = arith.constant 0 : i32
        %dma_start3A_894 = tpu.memref_slice %arg6[%dma_start3A_891, %dma_start3A_892, %dma_start3A_893] : memref<8x16x768xf32, #tpu.memory_space<vmem>> -> memref<1x16x768xf32, #tpu.memory_space<vmem>>
        %dma_start3A_895 = tpu.memref_squeeze %dma_start3A_894 : memref<1x16x768xf32, #tpu.memory_space<vmem>> -> memref<16x768xf32, #tpu.memory_space<vmem>>
        %dma_start3A_896 = tpu.memref_slice %arg5[%mul3A_890] : memref<1024xi32, #tpu.memory_space<vmem>> -> memref<16xi32, #tpu.memory_space<vmem>>
        %dma_start3A_897 = arith.constant 0 : i32
        %dma_start3A_898 = arith.constant 0 : i32
        %dma_start3A_899 = tpu.memref_slice %arg2[%dma_start3A_897, %dma_start3A_898] : memref<8192x768xf32, #tpu.memory_space<hbm>> -> memref<8192x768xf32, #tpu.memory_space<hbm>>
        tpu.enqueue_indirect_dma source(%dma_start3A_899 : memref<8192x768xf32, #tpu.memory_space<hbm>>) target(%dma_start3A_895 : memref<16x768xf32, #tpu.memory_space<vmem>>) offsets(%dma_start3A_896 : memref<16xi32, #tpu.memory_space<vmem>>) semaphore(%arg10 : memref<!tpu.dma_semaphore, #tpu.memory_space<semaphore_mem>>)
      } else {
      }
    }
    %scan3A_448 = arith.constant 7 : i32
    %dma_wait3A_449 = arith.constant 0 : i32
    %dma_wait3A_450 = arith.constant 0 : i32
    %dma_wait3A_451 = arith.constant 0 : i32
    %dma_wait3A_452 = tpu.memref_slice %arg6[%dma_wait3A_449, %dma_wait3A_450, %dma_wait3A_451] : memref<8x16x768xf32, #tpu.memory_space<vmem>> -> memref<1x16x768xf32, #tpu.memory_space<vmem>>
    %dma_wait3A_453 = tpu.memref_squeeze %dma_wait3A_452 : memref<1x16x768xf32, #tpu.memory_space<vmem>> -> memref<16x768xf32, #tpu.memory_space<vmem>>
    %dma_wait3A_454 = arith.constant 0 : i32
    %dma_wait3A_455 = tpu.memref_slice %arg4[%mul3A_2, %dma_wait3A_454] : memref<32768x768xf32, #tpu.memory_space<hbm>> -> memref<16x768xf32, #tpu.memory_space<hbm>>
    %dma_wait3A_456 = arith.constant 0 : i32
    %dma_wait3A_457 = tpu.memref_slice %arg4[%mul3A_2, %dma_wait3A_456] : memref<32768x768xf32, #tpu.memory_space<hbm>> -> memref<16x768xf32, #tpu.memory_space<hbm>>
    %dma_wait3A_458 = arith.constant 0 : i32
    %dma_wait3A_459 = arith.constant 0 : i32
    %dma_wait3A_460 = tpu.memref_slice %arg6[%dma_wait3A_449, %dma_wait3A_458, %dma_wait3A_459] : memref<8x16x768xf32, #tpu.memory_space<vmem>> -> memref<1x16x768xf32, #tpu.memory_space<vmem>>
    %dma_wait3A_461 = tpu.memref_squeeze %dma_wait3A_460 : memref<1x16x768xf32, #tpu.memory_space<vmem>> -> memref<16x768xf32, #tpu.memory_space<vmem>>
    tpu.wait_dma2 semaphore(%arg15 : memref<!tpu.dma_semaphore, #tpu.memory_space<semaphore_mem>>) src(%dma_wait3A_461 : memref<16x768xf32, #tpu.memory_space<vmem>>) dst(%dma_wait3A_457 : memref<16x768xf32, #tpu.memory_space<hbm>>)
    %dma_wait3A_462 = arith.constant 1 : i32
    %dma_wait3A_463 = arith.constant 0 : i32
    %dma_wait3A_464 = arith.constant 0 : i32
    %dma_wait3A_465 = tpu.memref_slice %arg6[%dma_wait3A_462, %dma_wait3A_463, %dma_wait3A_464] : memref<8x16x768xf32, #tpu.memory_space<vmem>> -> memref<1x16x768xf32, #tpu.memory_space<vmem>>
    %dma_wait3A_466 = tpu.memref_squeeze %dma_wait3A_465 : memref<1x16x768xf32, #tpu.memory_space<vmem>> -> memref<16x768xf32, #tpu.memory_space<vmem>>
    %dma_wait3A_467 = arith.constant 0 : i32
    %dma_wait3A_468 = tpu.memref_slice %arg4[%mul3A_2, %dma_wait3A_467] : memref<32768x768xf32, #tpu.memory_space<hbm>> -> memref<16x768xf32, #tpu.memory_space<hbm>>
    %dma_wait3A_469 = arith.constant 0 : i32
    %dma_wait3A_470 = tpu.memref_slice %arg4[%mul3A_2, %dma_wait3A_469] : memref<32768x768xf32, #tpu.memory_space<hbm>> -> memref<16x768xf32, #tpu.memory_space<hbm>>
    %dma_wait3A_471 = arith.constant 0 : i32
    %dma_wait3A_472 = arith.constant 0 : i32
    %dma_wait3A_473 = tpu.memref_slice %arg6[%dma_wait3A_462, %dma_wait3A_471, %dma_wait3A_472] : memref<8x16x768xf32, #tpu.memory_space<vmem>> -> memref<1x16x768xf32, #tpu.memory_space<vmem>>
    %dma_wait3A_474 = tpu.memref_squeeze %dma_wait3A_473 : memref<1x16x768xf32, #tpu.memory_space<vmem>> -> memref<16x768xf32, #tpu.memory_space<vmem>>
    tpu.wait_dma2 semaphore(%arg16 : memref<!tpu.dma_semaphore, #tpu.memory_space<semaphore_mem>>) src(%dma_wait3A_474 : memref<16x768xf32, #tpu.memory_space<vmem>>) dst(%dma_wait3A_470 : memref<16x768xf32, #tpu.memory_space<hbm>>)
    %dma_wait3A_475 = arith.constant 2 : i32
    %dma_wait3A_476 = arith.constant 0 : i32
    %dma_wait3A_477 = arith.constant 0 : i32
    %dma_wait3A_478 = tpu.memref_slice %arg6[%dma_wait3A_475, %dma_wait3A_476, %dma_wait3A_477] : memref<8x16x768xf32, #tpu.memory_space<vmem>> -> memref<1x16x768xf32, #tpu.memory_space<vmem>>
    %dma_wait3A_479 = tpu.memref_squeeze %dma_wait3A_478 : memref<1x16x768xf32, #tpu.memory_space<vmem>> -> memref<16x768xf32, #tpu.memory_space<vmem>>
    %dma_wait3A_480 = arith.constant 0 : i32
    %dma_wait3A_481 = tpu.memref_slice %arg4[%mul3A_2, %dma_wait3A_480] : memref<32768x768xf32, #tpu.memory_space<hbm>> -> memref<16x768xf32, #tpu.memory_space<hbm>>
    %dma_wait3A_482 = arith.constant 0 : i32
    %dma_wait3A_483 = tpu.memref_slice %arg4[%mul3A_2, %dma_wait3A_482] : memref<32768x768xf32, #tpu.memory_space<hbm>> -> memref<16x768xf32, #tpu.memory_space<hbm>>
    %dma_wait3A_484 = arith.constant 0 : i32
    %dma_wait3A_485 = arith.constant 0 : i32
    %dma_wait3A_486 = tpu.memref_slice %arg6[%dma_wait3A_475, %dma_wait3A_484, %dma_wait3A_485] : memref<8x16x768xf32, #tpu.memory_space<vmem>> -> memref<1x16x768xf32, #tpu.memory_space<vmem>>
    %dma_wait3A_487 = tpu.memref_squeeze %dma_wait3A_486 : memref<1x16x768xf32, #tpu.memory_space<vmem>> -> memref<16x768xf32, #tpu.memory_space<vmem>>
    tpu.wait_dma2 semaphore(%arg17 : memref<!tpu.dma_semaphore, #tpu.memory_space<semaphore_mem>>) src(%dma_wait3A_487 : memref<16x768xf32, #tpu.memory_space<vmem>>) dst(%dma_wait3A_483 : memref<16x768xf32, #tpu.memory_space<hbm>>)
    %dma_wait3A_488 = arith.constant 3 : i32
    %dma_wait3A_489 = arith.constant 0 : i32
    %dma_wait3A_490 = arith.constant 0 : i32
    %dma_wait3A_491 = tpu.memref_slice %arg6[%dma_wait3A_488, %dma_wait3A_489, %dma_wait3A_490] : memref<8x16x768xf32, #tpu.memory_space<vmem>> -> memref<1x16x768xf32, #tpu.memory_space<vmem>>
    %dma_wait3A_492 = tpu.memref_squeeze %dma_wait3A_491 : memref<1x16x768xf32, #tpu.memory_space<vmem>> -> memref<16x768xf32, #tpu.memory_space<vmem>>
    %dma_wait3A_493 = arith.constant 0 : i32
    %dma_wait3A_494 = tpu.memref_slice %arg4[%mul3A_2, %dma_wait3A_493] : memref<32768x768xf32, #tpu.memory_space<hbm>> -> memref<16x768xf32, #tpu.memory_space<hbm>>
    %dma_wait3A_495 = arith.constant 0 : i32
    %dma_wait3A_496 = tpu.memref_slice %arg4[%mul3A_2, %dma_wait3A_495] : memref<32768x768xf32, #tpu.memory_space<hbm>> -> memref<16x768xf32, #tpu.memory_space<hbm>>
    %dma_wait3A_497 = arith.constant 0 : i32
    %dma_wait3A_498 = arith.constant 0 : i32
    %dma_wait3A_499 = tpu.memref_slice %arg6[%dma_wait3A_488, %dma_wait3A_497, %dma_wait3A_498] : memref<8x16x768xf32, #tpu.memory_space<vmem>> -> memref<1x16x768xf32, #tpu.memory_space<vmem>>
    %dma_wait3A_500 = tpu.memref_squeeze %dma_wait3A_499 : memref<1x16x768xf32, #tpu.memory_space<vmem>> -> memref<16x768xf32, #tpu.memory_space<vmem>>
    tpu.wait_dma2 semaphore(%arg18 : memref<!tpu.dma_semaphore, #tpu.memory_space<semaphore_mem>>) src(%dma_wait3A_500 : memref<16x768xf32, #tpu.memory_space<vmem>>) dst(%dma_wait3A_496 : memref<16x768xf32, #tpu.memory_space<hbm>>)
    %dma_wait3A_501 = arith.constant 4 : i32
    %dma_wait3A_502 = arith.constant 0 : i32
    %dma_wait3A_503 = arith.constant 0 : i32
    %dma_wait3A_504 = tpu.memref_slice %arg6[%dma_wait3A_501, %dma_wait3A_502, %dma_wait3A_503] : memref<8x16x768xf32, #tpu.memory_space<vmem>> -> memref<1x16x768xf32, #tpu.memory_space<vmem>>
    %dma_wait3A_505 = tpu.memref_squeeze %dma_wait3A_504 : memref<1x16x768xf32, #tpu.memory_space<vmem>> -> memref<16x768xf32, #tpu.memory_space<vmem>>
    %dma_wait3A_506 = arith.constant 0 : i32
    %dma_wait3A_507 = tpu.memref_slice %arg4[%mul3A_2, %dma_wait3A_506] : memref<32768x768xf32, #tpu.memory_space<hbm>> -> memref<16x768xf32, #tpu.memory_space<hbm>>
    %dma_wait3A_508 = arith.constant 0 : i32
    %dma_wait3A_509 = tpu.memref_slice %arg4[%mul3A_2, %dma_wait3A_508] : memref<32768x768xf32, #tpu.memory_space<hbm>> -> memref<16x768xf32, #tpu.memory_space<hbm>>
    %dma_wait3A_510 = arith.constant 0 : i32
    %dma_wait3A_511 = arith.constant 0 : i32
    %dma_wait3A_512 = tpu.memref_slice %arg6[%dma_wait3A_501, %dma_wait3A_510, %dma_wait3A_511] : memref<8x16x768xf32, #tpu.memory_space<vmem>> -> memref<1x16x768xf32, #tpu.memory_space<vmem>>
    %dma_wait3A_513 = tpu.memref_squeeze %dma_wait3A_512 : memref<1x16x768xf32, #tpu.memory_space<vmem>> -> memref<16x768xf32, #tpu.memory_space<vmem>>
    tpu.wait_dma2 semaphore(%arg19 : memref<!tpu.dma_semaphore, #tpu.memory_space<semaphore_mem>>) src(%dma_wait3A_513 : memref<16x768xf32, #tpu.memory_space<vmem>>) dst(%dma_wait3A_509 : memref<16x768xf32, #tpu.memory_space<hbm>>)
    %dma_wait3A_514 = arith.constant 5 : i32
    %dma_wait3A_515 = arith.constant 0 : i32
    %dma_wait3A_516 = arith.constant 0 : i32
    %dma_wait3A_517 = tpu.memref_slice %arg6[%dma_wait3A_514, %dma_wait3A_515, %dma_wait3A_516] : memref<8x16x768xf32, #tpu.memory_space<vmem>> -> memref<1x16x768xf32, #tpu.memory_space<vmem>>
    %dma_wait3A_518 = tpu.memref_squeeze %dma_wait3A_517 : memref<1x16x768xf32, #tpu.memory_space<vmem>> -> memref<16x768xf32, #tpu.memory_space<vmem>>
    %dma_wait3A_519 = arith.constant 0 : i32
    %dma_wait3A_520 = tpu.memref_slice %arg4[%mul3A_2, %dma_wait3A_519] : memref<32768x768xf32, #tpu.memory_space<hbm>> -> memref<16x768xf32, #tpu.memory_space<hbm>>
    %dma_wait3A_521 = arith.constant 0 : i32
    %dma_wait3A_522 = tpu.memref_slice %arg4[%mul3A_2, %dma_wait3A_521] : memref<32768x768xf32, #tpu.memory_space<hbm>> -> memref<16x768xf32, #tpu.memory_space<hbm>>
    %dma_wait3A_523 = arith.constant 0 : i32
    %dma_wait3A_524 = arith.constant 0 : i32
    %dma_wait3A_525 = tpu.memref_slice %arg6[%dma_wait3A_514, %dma_wait3A_523, %dma_wait3A_524] : memref<8x16x768xf32, #tpu.memory_space<vmem>> -> memref<1x16x768xf32, #tpu.memory_space<vmem>>
    %dma_wait3A_526 = tpu.memref_squeeze %dma_wait3A_525 : memref<1x16x768xf32, #tpu.memory_space<vmem>> -> memref<16x768xf32, #tpu.memory_space<vmem>>
    tpu.wait_dma2 semaphore(%arg20 : memref<!tpu.dma_semaphore, #tpu.memory_space<semaphore_mem>>) src(%dma_wait3A_526 : memref<16x768xf32, #tpu.memory_space<vmem>>) dst(%dma_wait3A_522 : memref<16x768xf32, #tpu.memory_space<hbm>>)
    %dma_wait3A_527 = arith.constant 6 : i32
    %dma_wait3A_528 = arith.constant 0 : i32
    %dma_wait3A_529 = arith.constant 0 : i32
    %dma_wait3A_530 = tpu.memref_slice %arg6[%dma_wait3A_527, %dma_wait3A_528, %dma_wait3A_529] : memref<8x16x768xf32, #tpu.memory_space<vmem>> -> memref<1x16x768xf32, #tpu.memory_space<vmem>>
    %dma_wait3A_531 = tpu.memref_squeeze %dma_wait3A_530 : memref<1x16x768xf32, #tpu.memory_space<vmem>> -> memref<16x768xf32, #tpu.memory_space<vmem>>
    %dma_wait3A_532 = arith.constant 0 : i32
    %dma_wait3A_533 = tpu.memref_slice %arg4[%mul3A_2, %dma_wait3A_532] : memref<32768x768xf32, #tpu.memory_space<hbm>> -> memref<16x768xf32, #tpu.memory_space<hbm>>
    %dma_wait3A_534 = arith.constant 0 : i32
    %dma_wait3A_535 = tpu.memref_slice %arg4[%mul3A_2, %dma_wait3A_534] : memref<32768x768xf32, #tpu.memory_space<hbm>> -> memref<16x768xf32, #tpu.memory_space<hbm>>
    %dma_wait3A_536 = arith.constant 0 : i32
    %dma_wait3A_537 = arith.constant 0 : i32
    %dma_wait3A_538 = tpu.memref_slice %arg6[%dma_wait3A_527, %dma_wait3A_536, %dma_wait3A_537] : memref<8x16x768xf32, #tpu.memory_space<vmem>> -> memref<1x16x768xf32, #tpu.memory_space<vmem>>
    %dma_wait3A_539 = tpu.memref_squeeze %dma_wait3A_538 : memref<1x16x768xf32, #tpu.memory_space<vmem>> -> memref<16x768xf32, #tpu.memory_space<vmem>>
    tpu.wait_dma2 semaphore(%arg21 : memref<!tpu.dma_semaphore, #tpu.memory_space<semaphore_mem>>) src(%dma_wait3A_539 : memref<16x768xf32, #tpu.memory_space<vmem>>) dst(%dma_wait3A_535 : memref<16x768xf32, #tpu.memory_space<hbm>>)
    %dma_wait3A_540 = arith.constant 7 : i32
    %dma_wait3A_541 = arith.constant 0 : i32
    %dma_wait3A_542 = arith.constant 0 : i32
    %dma_wait3A_543 = tpu.memref_slice %arg6[%dma_wait3A_540, %dma_wait3A_541, %dma_wait3A_542] : memref<8x16x768xf32, #tpu.memory_space<vmem>> -> memref<1x16x768xf32, #tpu.memory_space<vmem>>
    %dma_wait3A_544 = tpu.memref_squeeze %dma_wait3A_543 : memref<1x16x768xf32, #tpu.memory_space<vmem>> -> memref<16x768xf32, #tpu.memory_space<vmem>>
    %dma_wait3A_545 = arith.constant 0 : i32
    %dma_wait3A_546 = tpu.memref_slice %arg4[%mul3A_2, %dma_wait3A_545] : memref<32768x768xf32, #tpu.memory_space<hbm>> -> memref<16x768xf32, #tpu.memory_space<hbm>>
    %dma_wait3A_547 = arith.constant 0 : i32
    %dma_wait3A_548 = tpu.memref_slice %arg4[%mul3A_2, %dma_wait3A_547] : memref<32768x768xf32, #tpu.memory_space<hbm>> -> memref<16x768xf32, #tpu.memory_space<hbm>>
    %dma_wait3A_549 = arith.constant 0 : i32
    %dma_wait3A_550 = arith.constant 0 : i32
    %dma_wait3A_551 = tpu.memref_slice %arg6[%dma_wait3A_540, %dma_wait3A_549, %dma_wait3A_550] : memref<8x16x768xf32, #tpu.memory_space<vmem>> -> memref<1x16x768xf32, #tpu.memory_space<vmem>>
    %dma_wait3A_552 = tpu.memref_squeeze %dma_wait3A_551 : memref<1x16x768xf32, #tpu.memory_space<vmem>> -> memref<16x768xf32, #tpu.memory_space<vmem>>
    tpu.wait_dma2 semaphore(%arg22 : memref<!tpu.dma_semaphore, #tpu.memory_space<semaphore_mem>>) src(%dma_wait3A_552 : memref<16x768xf32, #tpu.memory_space<vmem>>) dst(%dma_wait3A_548 : memref<16x768xf32, #tpu.memory_space<hbm>>)
    return
  }
}

</mosaic_0001>

<sc_bundles>
// kernel: kernel.3.cloned.1.call-start
scs
__scs_entry_jumppad:
0x0: {  	(pc) =	sbr.rel $0x88, $3  }
0x1: {  	(tag) =	ssettag $0x0;
	lr =	simm.s32 $0x1  }
0x2: {  	[smem:$0x3F9F] =	sst lr;
	_ =	strace $0xD0000000  }
0x3: {  	_ = 	snop  }
0x4: {  	_ = 	snop  }
0x5: {  	_ = 	snop  }
0x6: {  	_ = 	snop  }
0x7: {  	_ = 	snop  }
__scs_overlays_trampoline_lowered:
0x8: {  	[smem:$0x3FAE] =	sst s0  }
0x9: {  	[smem:$0x3FAF] =	sst s1  }
0xa: {  	[smem:$0x3FB0] =	sst s2  }
0xb: {  	[smem:$0x3FB1] =	sst s3  }
0xc: {  	[smem:$0x3FB2] =	sst s4  }
0xd: {  	[smem:$0x3FB3] =	sst s5  }
0xe: {  	[smem:$0x3FB4] =	sst s6  }
0xf: {  	[smem:$0x3FB5] =	sst s7  }
0x10: {  	[smem:$0x3FB6] =	sst s8  }
0x11: {  	[smem:$0x3FB7] =	sst s9;
	s0 =	simm.s32 @!p0 $0x0  }
0x12: {  	s1 =	sld [smem:$0x3F9D];
	s0 =	simm.s32 @p0 $0x1  }
0x13: {  	[smem:$0x3FB8] =	sst s0;
	s0 =	simm.s32 @!p1 $0x0  }
0x14: {  	s2 =	sld [smem:$0x3F9C];
	s0 =	simm.s32 @p1 $0x1  }
0x15: {  	[smem:$0x3FB9] =	sst s0;
	s0 =	simm.s32 @!p2 $0x0  }
0x16: {  	s3 =	sld [smem:$0x3FDB];
	s0 =	simm.s32 @p2 $0x1  }
0x17: {  	s4 =	simm.s32 $0x1BF5;
	[smem:$0x3FBB] =	sst s0  }
0x18: {  	s0 =	sld [smem:$0x3F9E];
	_ =	swait.ge [sflag:s4], $0x0  }
0x19: {  	s7 =	sld [smem:$0x3F9F]  }
0x1a: {  	s8 =	sadd.s32 $0xFFFFE003, lr  }
0x1b: {  	s9 =	sadd.s32 $0xFFFFFEF7, lr;
	s5 =	simm.s32 $0xFFFFFFFF;
	p2 =	slt.u32 s8, $0xFFFFF086  }
0x1c: {  	p1 =	slt.u32 s9, $0xF7A;
	s5 =	simm.s32 @!p2 $0x0  }
0x1d: {  	s5 =	simm.s32 @p1 $0x1;
	p0 =	seq.s32 s7, s2  }
0x1e: {  	s7 =	smul.u32 @!p0 $0xF7A, s2;
	p2 =	seq.s32 @!p0 s5, $0x0  }
0x1f: {  	s9 =	smul.u32 $0xF7A, s1;
	s8 =	simm.s32 @!p0 $0x1BF5;
	p2 =	por !p2, p0  }
0x20: {  	[sflag:s8] =	ssyncset.s32 @!p0 $0xFFFFF086;
	s6 =	sadd.s32 @!p0 s3, s7;
	s7 =	simm.s32 @!p0 $0x108  }
0x21: {  	s3 =	sadd.s32 s3, s9;
	s6 =	sadd.s32 @!p0 $0x88, s6;
	s7 =	simm.s32 @p2 $0x1082  }
0x22: {  	[simem:s7], [sflag:s8] =	dma.local @!p0 [hbm:s6], $0xF7A  }
0x23: {  	s9 =	sor.u32 $0xD0000000, s2;
	s6 =	simm.s32 $0x108;
	_ =	swait.ge @!p0 [sflag:s8], $0x0  }
0x24: {  	s3 =	sadd.s32 $0x88, s3;
	s6 =	simm.s32 @!p1 $0x1082;
	[sflag:s4] =	ssyncset.s32 $0xFFFFF086  }
0x25: {  	[simem:s6], [sflag:s4] =	dma.local [hbm:s3], $0xF7A  }
0x26: {  	[smem:$0x3F9F] =	sst s1;
	(tag) =	ssettag s2;
	_ =	strace s9  }
0x27: {  	s1 =	sld [smem:$0x3FAF]  }
0x28: {  	s2 =	sld [smem:$0x3FB0]  }
0x29: {  	s4 =	sld [smem:$0x3FB2]  }
0x2a: {  	p0 =	seq.s32 s5, $0x0;
	s5 =	sld [smem:$0x3FB3]  }
0x2b: {  	s6 =	sld [smem:$0x3FB4]  }
0x2c: {  	s7 =	sld [smem:$0x3FB5]  }
0x2d: {  	s3 =	simm.s32 $0x108;
	s8 =	sld [smem:$0x3FB6]  }
0x2e: {  	s3 =	simm.s32 @!p0 $0x1082;
	s9 =	sld [smem:$0x3FB7]  }
0x2f: {  	lr =	sadd.s32 s0, s3;
	s0 =	sld [smem:$0x3FAE]  }
0x30: {  	s3 =	sld [smem:$0x3FB1]  }
0x31: {  	[smem:$0x3FBA] =	sst s10  }
0x32: {  	s10 =	sld [smem:$0x3FB8];
	_ =	sdelay $0x3  }
0x33: {  	p0 =	seq.s32 s10, $0x1;
	s10 =	sld [smem:$0x3FBA];
	_ =	sdelay $0x3  }
0x34: {  	[smem:$0x3FBA] =	sst s10  }
0x35: {  	s10 =	sld [smem:$0x3FB9];
	_ =	sdelay $0x3  }
0x36: {  	p1 =	seq.s32 s10, $0x1;
	s10 =	sld [smem:$0x3FBA];
	_ =	sdelay $0x3  }
0x37: {  	[smem:$0x3FBA] =	sst s10  }
0x38: {  	s10 =	sld [smem:$0x3FBB]  }
0x39: {  	_ = 	snop;
	(pc) =	sbr.ind lr, $3  }
0x3a: {  	_ = 	snop  }
0x3b: {  	_ = 	snop  }
0x3c: {  	p2 =	seq.s32 s10, $0x1;
	s10 =	sld [smem:$0x3FBA]  }
0x3d: {  	_ =	shalt  }
0x3e: {  	_ =	shalt  }
0x3f: {  	_ =	shalt  }
0x40: {  	_ =	shalt  }
0x41: {  	_ =	shalt  }
0x42: {  	_ =	shalt  }
0x43: {  	_ =	shalt  }
0x44: {  	_ =	shalt  }
0x45: {  	_ =	shalt  }
0x46: {  	_ =	shalt  }
0x47: {  	_ =	shalt  }
0x48: {  	_ =	shalt  }
0x49: {  	_ =	shalt  }
0x4a: {  	_ =	shalt  }
0x4b: {  	_ =	shalt  }
0x4c: {  	_ =	shalt  }
0x4d: {  	_ =	shalt  }
0x4e: {  	_ =	shalt  }
0x4f: {  	_ =	shalt  }
0x50: {  	_ =	shalt  }
0x51: {  	_ =	shalt  }
0x52: {  	_ =	shalt  }
0x53: {  	_ =	shalt  }
0x54: {  	_ =	shalt  }
0x55: {  	_ =	shalt  }
0x56: {  	_ =	shalt  }
0x57: {  	_ =	shalt  }
0x58: {  	_ =	shalt  }
0x59: {  	_ =	shalt  }
0x5a: {  	_ =	shalt  }
0x5b: {  	_ =	shalt  }
0x5c: {  	_ =	shalt  }
0x5d: {  	_ =	shalt  }
0x5e: {  	_ =	shalt  }
0x5f: {  	_ =	shalt  }
0x60: {  	_ =	shalt  }
0x61: {  	_ =	shalt  }
0x62: {  	_ =	shalt  }
0x63: {  	_ =	shalt  }
0x64: {  	_ =	shalt  }
0x65: {  	_ =	shalt  }
0x66: {  	_ =	shalt  }
0x67: {  	_ =	shalt  }
0x68: {  	_ =	shalt  }
0x69: {  	_ =	shalt  }
0x6a: {  	_ =	shalt  }
0x6b: {  	_ =	shalt  }
0x6c: {  	_ =	shalt  }
0x6d: {  	_ =	shalt  }
0x6e: {  	_ =	shalt  }
0x6f: {  	_ =	shalt  }
0x70: {  	_ =	shalt  }
0x71: {  	_ =	shalt  }
0x72: {  	_ =	shalt  }
0x73: {  	_ =	shalt  }
0x74: {  	_ =	shalt  }
0x75: {  	_ =	shalt  }
0x76: {  	_ =	shalt  }
0x77: {  	_ =	shalt  }
0x78: {  	_ =	shalt  }
0x79: {  	_ =	shalt  }
0x7a: {  	_ =	shalt  }
0x7b: {  	_ =	shalt  }
0x7c: {  	_ =	shalt  }
0x7d: {  	_ =	shalt  }
0x7e: {  	_ =	shalt  }
0x7f: {  	_ =	shalt  }
0x80: {  	_ =	shalt  }
0x81: {  	_ =	shalt  }
0x82: {  	_ =	shalt  }
0x83: {  	_ =	shalt  }
0x84: {  	_ =	shalt  }
0x85: {  	_ =	shalt  }
0x86: {  	_ =	shalt  }
0x87: {  	_ =	shalt  }
.Lfunc_end0:
.L_simem_size_0:
called_computation_lowered:
.L_overlay_start_0:
0x88: {  	s2 =	sld [smem:$0x3FD9]  }
0x89: {  	s3 =	sld [smem:$0x3FFE];
	_ =	sdelay $0x1  }
0x8a: {  	s1 =	srdreg.scid  }
0x8b: {  	s0 =	sand.u32 $0x1, s1  }
0x8c: {  	s18 =	sshll.u32 s0, $0xA;
	s2 =	sadd.s32 s3, s2  }
0x8d: {  	s2 =	sadd.s32 s2, s18  }
0x8e: {  	[smem:$0x3FC6] =	sst s2  }
0x8f: {  	_ = 	snop  }
0x90: {  	s2 =	sld [smem:$0x3FC9]  }
0x91: {  	s19 =	sld [smem:$0x3FC8]  }
0x92: {  	s4 =	sld [smem:$0x3FD0];
	(tm) =	ssettm $0x1  }
0x93: {  	s5 =	sld [smem:$0x3FFB];
	_ =	sdelay $0x3  }
0x94: {  	_ =	strace s5  }
0x95: {  	s5 =	sld [smem:$0x3FFC];
	_ =	sdelay $0x3  }
0x96: {  	_ =	strace s5  }
0x97: {  	s5 =	sld [smem:$0x3FFD];
	_ =	sdelay $0x3  }
0x98: {  	_ =	strace s5  }
0x99: {  	_ =	strace $0x8FFFFFFF  }
0x9a: {  	s20 =	sld [smem:$0x3FDB];
	_ =	sdelay $0x1  }
0x9b: {  	s6 =	simm.s32 $_scs_section_size  }
0x9c: {  	s7 =	simm.s32 $_size__tile_overlayer_lowered;
	s8 =	simm.s32 $_tile_overlayer_lowered  }
0x9d: {  	s23 =	simm.s32 $0x1BFF;
	s22 =	sshll.u32 s8, $0x1;
	s5 =	sadd.s32 s6, s20  }
0x9e: {  	s9 =	simm.s32 $0x0;
	s21 =	sshll.u32 s7, $0x1;
	s7 =	sadd.s32 s22, s5  }
0x9f: {  	[timem:s9], [sflag:s23] =	dma.local [hbm:s7], s21  }
0xa0: {  	_ =	swait.ge [sflag:s23], s21  }
0xa1: {  	s6 =	ssub.s32 $0x0, s21;
	[sflag:s23] =	ssyncset.done $0x0  }
0xa2: {  	[sflag:s23] =	ssyncadd.s32 s6;
	_ =	sdelay $0x1  }
0xa3: {  	s24 =	simm.s32 $0x1B8B  }
0xa4: {  	_ =	swait.ge [sflag:s24], $0x1  }
0xa5: {  	[sflag:s24] =	ssyncset.done $0x0  }
0xa6: {  	s25 =	simm.s32 $0x1B8E;
	[sflag:s24] =	ssyncadd.s32 $0xFFFFFFFF  }
0xa7: {  	s26 =	simm.s32 $execute0_lowered;
	[smem:$0x3FD2] =	sst s25  }
0xa8: {  	s6 =	sshll.u32 s26, $0x1;
	_ =	strace $0x80000046;
	[dreg:$0x1] =	wrdreg $0xFFFFFFFF  }
0xa9: {  	s28 =	simm.s32 $_size_execute0_lowered;
	s5 =	sadd.s32 s5, s6;
	[dreg:$0x0] =	wrdreg $0x0  }
0xaa: {  	s6 =	sshll.u32 s28, $0x1;
	[dreg:$0x2] =	wrdreg s5  }
0xab: {  	[dreg:$0x3] =	wrdreg s6  }
0xac: {  	[dreg:$0x4] =	wrdreg $0xC0  }
0xad: {  	_ =	task [dreg:s9], $0x5FFFF  }
0xae: {  	[dreg:$0x1] =	wrdreg $0xFFFFFFFF  }
0xaf: {  	[dreg:$0x0] =	wrdreg $0x60  }
0xb0: {  	[dreg:$0x2] =	wrdreg s19  }
0xb1: {  	[dreg:$0x3] =	wrdreg s2  }
0xb2: {  	[dreg:$0x4] =	wrdreg s4  }
0xb3: {  	[dreg:$0x5] =	wrdreg $0x9  }
0xb4: {  	_ =	task.clear_ibuf [dreg:s9], $0x6FFFF;
	_ =	strace $0x90000046  }
0xb5: {  	s29 =	simm.s32 $0x9;
	_ =	strace $0x80000048  }
0xb6: {  	_ =	swait.ge [sflag:s29], $0x1  }
0xb7: {  	[sflag:s29] =	ssyncadd.s32 $0xFFFFFFFF  }
0xb8: {  	_ =	strace $0x90000048  }
0xb9: {  	_ =	sfence  }
0xba: {  	s30 =	sld [smem:$0x0];
	_ =	sdelay $0x2  }
0xbb: {  	s31 =	sshll.u32 s1, $0xD;
	s1 =	sshrl.u32 s1, $0x2  }
0xbc: {  	s3 =	sand.u32 $0x4000, s31;
	s1 =	sadd.s32 s1, s30  }
0xbd: {  	s0 =	sor.u32 s3, s0;
	s1 =	sshll.u32 s1, $0x11  }
0xbe: {  	s0 =	sor.u32 s1, s0  }
0xbf: {  	s0 =	sadd.s32 $0x8F2B, s0  }
0xc0: {  	[sflag:s0] =	ssyncadd.remote.s32 $0x1  }
0xc1: {  	_ =	sfence.sel $0xFFFF  }
0xc2: {  	[dreg:$0x0] =	wrdreg $0xFFFFFFFF;
	(pc) =	sbr.abs _section_cstart, $3  }
0xc3: {  	[dreg:$0x1] =	wrdreg $0xFFFFFFFF  }
0xc4: {  	_ =	task.clear_ibuf [dreg:s9], $0x2FFFF;
	_ =	strace $0x9FFFFFFF  }
0xc5: {  	(tm) =	ssettm $0x7FFFFFFF  }
tec
execute0_lowered:
.L_overlay_start_1:
0x0: {  	(tag) =	ssettag $0x1  }
0x1: {  	s1 =	rddreg [dreg:$0x0]  }
0x2: {  	s2 =	rddreg [dreg:$0x1]  }
0x3: {  	s0 =	rddreg [dreg:$0x2]  }
0x4: {  	s3 =	simm.s32 $0x0;
	s4 =	srdreg.scid;
	s10 =	stileid.u32  }
0x5: {  	s29 =	simm.s32 $0x2;
	s31 =	simm.s32 $0x15400;
	s30 =	simm.s32 $0xB  }
0x6: {  	s28 =	simm.s32 $0x8;
	[smem:$0x7FF] =	sst s3;
	s4 =	sand.u32 $0x1, s4  }
0x7: {  	s5 =	sshll.u32 s10, $0x1;
	s6 =	sshll.u32 s10, $0x2;
	s24 =	sshll.u32 s10, $0xB  }
0x8: {  	_ =	strace $0x80000047;
	s5 =	sor.u32 s4, s5;
	s7 =	ssub.s32 $0x2, s4  }
0x9: {  	s6 =	sand.u32 $0x30, s6;
	s4 =	sshll.u32 s4, $0xA;
	s8 =	sshll.u32 s5, $0x9  }
0xa: {  	s9 =	sshrl.u32 s7, $0x1;
	s2 =	sadd.s32 s2, s6;
	s23 =	smul.u32 $0x18000, s5  }
0xb: {  	s5 =	sadd.s32 $0x100, s1;
	s6 =	sadd.s32 $0x200, s1;
	s26 =	sor.u32 s4, s24  }
0xc: {  	s8 =	sand.u32 $0xE00, s8;
	s7 =	ssub.s32 s7, s9;
	s11 =	sor.u32 $0xF0, s26  }
0xd: {  	s17 =	sor.u32 $0xE0, s26;
	s19 =	sor.u32 $0xD0, s26;
	s20 =	sor.u32 $0xB0, s26  }
0xe: {  	s21 =	sor.u32 $0xA0, s26;
	s22 =	sor.u32 $0x90, s26;
	s2 =	sadd.s32 s8, s2  }
0xf: {  	s25 =	sadd.s32 s0, s23;
	s4 =	sshrl.u32 s11, $0x3;
	[dreg:$0x4] =	wrdreg s2  }
0x10: {  	s7 =	smax.u32 s7, $0x1;
	s18 =	sshrl.u32 s17, $0x3;
	[dreg:$0x5] =	wrdreg s25  }
0x11: {  	s9 =	sshrl.u32 s21, $0x3;
	s8 =	sadd.s32 $0x600, s25;
	[dreg:$0xd] =	wrdreg s7  }
0x12: {  	s11 =	sor.u32 $0x80, s26;
	s10 =	sadd.s32 $0xC00, s25;
	[dreg:$0x6] =	wrdreg s8  }
0x13: {  	s21 =	simm.s32 $0x9400;
	s12 =	sadd.s32 $0x1200, s25;
	[dreg:$0x7] =	wrdreg s10  }
0x14: {  	s13 =	sadd.s32 $0x1800, s25;
	s14 =	sadd.s32 $0x1E00, s25;
	[dreg:$0x8] =	wrdreg s12  }
0x15: {  	s15 =	sadd.s32 $0x2400, s25;
	s4 =	smul.u32 $0x300, s4;
	[dreg:$0x9] =	wrdreg s13  }
0x16: {  	s16 =	sadd.s32 $0x2A00, s25;
	s7 =	sshrl.u32 s19, $0x3;
	[dreg:$0xa] =	wrdreg s14  }
0x17: {  	s9 =	smul.u32 $0x300, s9;
	s11 =	sshrl.u32 s11, $0x3;
	[dreg:$0xb] =	wrdreg s15  }
0x18: {  	s2 =	sor.u32 $0xC0, s26;
	[dreg:$0xc] =	wrdreg s16;
	s7 =	smul.u32 $0x300, s7  }
0x19: {  	s8 =	sshrl.u32 s20, $0x3;
	s10 =	sshrl.u32 s22, $0x3;
	s23 =	smul.u32 $0x300, s11  }
0x1a: {  	s2 =	sshrl.u32 s2, $0x3;
	s13 =	simm.s32 $0x5;
	s22 =	simm.s32 $0x9  }
0x1b: {  	s14 =	simm.s32 $0x6;
	s15 =	simm.s32 $0x7;
	s8 =	smul.u32 $0x300, s8  }
0x1c: {  	s11 =	simm.s32 $0xC;
	s16 =	simm.s32 $0x0;
	s10 =	smul.u32 $0x300, s10  }
0x1d: {  	s4 =	sadd.s32 s4, s0;
	s2 =	smul.u32 $0x300, s2;
	s25 =	sadd.s32 s9, s0  }
0x1e: {  	s9 =	simm.s32 $0xC400;
	[dreg:$0xe] =	wrdreg s4;
	s4 =	smul.u32 $0x300, s18  }
0x1f: {  	s7 =	sadd.s32 s7, s0;
	[dreg:$0x12] =	wrdreg s25;
	s25 =	simm.s32 $0xF  }
0x20: {  	[dreg:$0x10] =	wrdreg s7;
	s24 =	sadd.s32 s8, s0;
	s26 =	sadd.s32 s10, s0  }
0x21: {  	s8 =	simm.s32 $0x1;
	s7 =	simm.s32 $0xF400;
	s10 =	simm.s32 $0x12400  }
.Ltmp0:
0x22: {  	s4 =	sadd.s32 s4, s0;
	[dreg:$0x11] =	wrdreg s24;
	(pc) =	sbr.rel .LBB2_1-.Ltmp0, $4  }
0x23: {  	[dreg:$0x13] =	wrdreg s26;
	s26 =	simm.s32 $0x4;
	s24 =	simm.s32 $0x10  }
0x24: {  	v2 =	vlaneseq.u32;
	[dreg:$0xf] =	wrdreg s4;
	s4 =	sadd.s32 s23, s0;
	s0 =	sadd.s32 s2, s0  }
0x25: {  	vm0 =	vmmov $0xffff;
	v1 =	vshrl.u32 v2, $0x3;
	s23 =	simm.s32 $0xA;
	s2 =	simm.s32 $0xE;
	[dreg:$0x14] =	wrdreg s4  }
0x26: {  	v0 =	vand.u32 $0x7, v2;
	v2 =	vor.u32 $0x8, v2;
	v1 =	vmul.u32 $0x8, v1;
	[dreg:$0x15] =	wrdreg s0;
	s4 =	simm.s32 $0x3;
	s0 =	simm.s32 $0xD  }
.LBB2_4:
0x27: {  	s22 =	simm.s32 $0x9  }
0x28: {  	_ =	swait.ge [sflag:s22], $0x3000  }
0x29: {  	[sflag:s22] =	ssyncset.done $0x0  }
0x2a: {  	s23 =	simm.s32 $0xA;
	[sflag:s22] =	ssyncadd.s32 $0xFFFFD000  }
0x2b: {  	_ =	swait.ge [sflag:s23], $0x3000  }
0x2c: {  	[sflag:s23] =	ssyncset.done $0x0  }
0x2d: {  	s30 =	simm.s32 $0xB;
	[sflag:s23] =	ssyncadd.s32 $0xFFFFD000  }
0x2e: {  	_ =	swait.ge [sflag:s30], $0x3000  }
0x2f: {  	[sflag:s30] =	ssyncset.done $0x0  }
0x30: {  	[sflag:s30] =	ssyncadd.s32 $0xFFFFD000  }
0x31: {  	_ =	swait.ge [sflag:s11], $0x3000  }
0x32: {  	[sflag:s11] =	ssyncset.done $0x0  }
0x33: {  	[sflag:s11] =	ssyncadd.s32 $0xFFFFD000  }
0x34: {  	_ =	swait.ge [sflag:s0], $0x3000  }
0x35: {  	[sflag:s0] =	ssyncset.done $0x0  }
0x36: {  	[sflag:s0] =	ssyncadd.s32 $0xFFFFD000  }
0x37: {  	_ =	swait.ge [sflag:s2], $0x3000  }
0x38: {  	[sflag:s2] =	ssyncset.done $0x0  }
0x39: {  	[sflag:s2] =	ssyncadd.s32 $0xFFFFD000  }
0x3a: {  	_ =	swait.ge [sflag:s25], $0x3000  }
0x3b: {  	[sflag:s25] =	ssyncset.done $0x0  }
0x3c: {  	[sflag:s25] =	ssyncadd.s32 $0xFFFFD000  }
0x3d: {  	_ =	swait.ge [sflag:s24], $0x3000  }
0x3e: {  	s16 =	rddreg [dreg:$0x16]  }
0x3f: {  	s12 =	rddreg [dreg:$0xd];
	s16 =	sadd.s32 $0x1, s16  }
0x40: {  	p0 =	sne.s32 s16, s12  }
.Ltmp1:
0x41: {  	_ = 	snop;
	(pc) =	sbr.rel @!p0 .LBB2_5-.Ltmp1, $3  }
0x42: {  	_ =	sdelay $0x1  }
0x43: {  	[sflag:s24] =	ssyncset.done $0x0  }
0x44: {  	s21 =	simm.s32 $0x9400;
	[sflag:s24] =	ssyncadd.s32 $0xFFFFD000  }
.LBB2_1:
0x45: {  	[dreg:$0x16] =	wrdreg s16  }
0x46: {  	s12 =	rddreg [dreg:$0x4]  }
0x47: {  	s20 =	simm.s32 $0x80;
	s17 =	simm.s32 $0x200;
	s16 =	simm.s32 $0x11  }
0x48: {  	[tilespmem:s3], [sflag:$0x11] =	stream.strided.gather [hbm4b:s12+s20], $0x400, s17, s20, $0x38;
	[tilespmem:$0x18400] =	vst v63  }
0x49: {  	_ =	swait.ge [sflag:s16], $0x400  }
0x4a: {  	[sflag:s16] =	ssyncset.done $0x0  }
0x4b: {  	[sflag:s16] =	ssyncadd.s32 $0xFFFFFC00  }
0x4c: {  	v3 =	vld [tilespmem:$0x0];
	_ =	sdelay $0x4  }
0x4d: {  	v4 =	vshrl.u32 v3, $0x3  }
0x4e: {  	v4 =	vmul.u32 $0x30, v4  }
0x4f: {  	v3 =	vand.u32 $0x7, v3  }
0x50: {  	v3 =	vor.u32 v3, v4  }
0x51: {  	v4 =	vperm.xlane v3, v0;
	_ =	sdelay $0x1  }
0x52: {  	v4 =	vadd.s32 v1, v4;
	_ =	sdelay $0x3  }
0x53: {  	s16 =	simm.s32 $0x400;
	v3 =	vperm.xlane v3, v2  }
0x54: {  	[tilespmem:s16], [sflag:$0x1] =	stream.indirect_vreg.gather [hbm4b:s1+s3], $0x80, v4, vm0, $0xb8;
	[tilespmem:$0x18400] =	vst v63  }
0x55: {  	s19 =	simm.s32 $0xC00;
	v3 =	vadd.s32 v1, v3  }
0x56: {  	[tilespmem:s19], [sflag:$0x1] =	stream.indirect_vreg.gather [hbm4b:s5+s3], $0x80, v4, vm0, $0xb8;
	[tilespmem:$0x18400] =	vst v63  }
0x57: {  	s20 =	simm.s32 $0x1400  }
0x58: {  	[tilespmem:s20], [sflag:$0x1] =	stream.indirect_vreg.gather [hbm4b:s6+s3], $0x80, v4, vm0, $0xb8;
	[tilespmem:$0x18400] =	vst v63  }
0x59: {  	s17 =	simm.s32 $0x1C00  }
0x5a: {  	[tilespmem:s17], [sflag:$0x1] =	stream.indirect_vreg.gather [hbm4b:s1+s3], $0x80, v3, vm0, $0xb8;
	[tilespmem:$0x18400] =	vst v63  }
0x5b: {  	s18 =	simm.s32 $0x2400  }
0x5c: {  	[tilespmem:s18], [sflag:$0x1] =	stream.indirect_vreg.gather [hbm4b:s5+s3], $0x80, v3, vm0, $0xb8;
	[tilespmem:$0x18400] =	vst v63  }
0x5d: {  	s17 =	simm.s32 $0x2C00  }
0x5e: {  	[tilespmem:s17], [sflag:$0x1] =	stream.indirect_vreg.gather [hbm4b:s6+s3], $0x80, v3, vm0, $0xb8;
	[tilespmem:$0x18400] =	vst v63  }
0x5f: {  	v3 =	vld [tilespmem:$0x10];
	_ =	sdelay $0x4  }
0x60: {  	v53 =	vshrl.u32 v3, $0x3  }
0x61: {  	v4 =	vmul.u32 $0x30, v53  }
0x62: {  	v3 =	vand.u32 $0x7, v3  }
0x63: {  	v3 =	vor.u32 v3, v4  }
0x64: {  	v4 =	vperm.xlane v3, v0;
	_ =	sdelay $0x1  }
0x65: {  	v4 =	vadd.s32 v1, v4;
	_ =	sdelay $0x3  }
0x66: {  	s17 =	simm.s32 $0x3400;
	v3 =	vperm.xlane v3, v2  }
0x67: {  	[tilespmem:s17], [sflag:$0x2] =	stream.indirect_vreg.gather [hbm4b:s1+s3], $0x80, v4, vm0, $0xb8;
	[tilespmem:$0x18400] =	vst v63  }
0x68: {  	s18 =	simm.s32 $0x3C00;
	v3 =	vadd.s32 v1, v3  }
0x69: {  	[tilespmem:s18], [sflag:$0x2] =	stream.indirect_vreg.gather [hbm4b:s5+s3], $0x80, v4, vm0, $0xb8;
	[tilespmem:$0x18400] =	vst v63  }
0x6a: {  	s18 =	simm.s32 $0x4400  }
0x6b: {  	[tilespmem:s18], [sflag:$0x2] =	stream.indirect_vreg.gather [hbm4b:s6+s3], $0x80, v4, vm0, $0xb8;
	[tilespmem:$0x18400] =	vst v63  }
0x6c: {  	s18 =	simm.s32 $0x4C00  }
0x6d: {  	[tilespmem:s18], [sflag:$0x2] =	stream.indirect_vreg.gather [hbm4b:s1+s3], $0x80, v3, vm0, $0xb8;
	[tilespmem:$0x18400] =	vst v63  }
0x6e: {  	s18 =	simm.s32 $0x5400  }
0x6f: {  	[tilespmem:s18], [sflag:$0x2] =	stream.indirect_vreg.gather [hbm4b:s5+s3], $0x80, v3, vm0, $0xb8;
	[tilespmem:$0x18400] =	vst v63  }
0x70: {  	s18 =	simm.s32 $0x5C00  }
0x71: {  	[tilespmem:s18], [sflag:$0x2] =	stream.indirect_vreg.gather [hbm4b:s6+s3], $0x80, v3, vm0, $0xb8;
	[tilespmem:$0x18400] =	vst v63  }
0x72: {  	v3 =	vld [tilespmem:$0x20];
	_ =	sdelay $0x4  }
0x73: {  	v54 =	vshrl.u32 v3, $0x3  }
0x74: {  	v4 =	vmul.u32 $0x30, v54  }
0x75: {  	v3 =	vand.u32 $0x7, v3  }
0x76: {  	v3 =	vor.u32 v3, v4  }
0x77: {  	v4 =	vperm.xlane v3, v0;
	_ =	sdelay $0x1  }
0x78: {  	v4 =	vadd.s32 v1, v4;
	_ =	sdelay $0x3  }
0x79: {  	s18 =	simm.s32 $0x6400;
	v3 =	vperm.xlane v3, v2  }
0x7a: {  	[tilespmem:s18], [sflag:$0x3] =	stream.indirect_vreg.gather [hbm4b:s1+s3], $0x80, v4, vm0, $0xb8;
	[tilespmem:$0x18400] =	vst v63  }
0x7b: {  	s12 =	simm.s32 $0x6C00;
	v3 =	vadd.s32 v1, v3  }
0x7c: {  	[tilespmem:s12], [sflag:$0x3] =	stream.indirect_vreg.gather [hbm4b:s5+s3], $0x80, v4, vm0, $0xb8;
	[tilespmem:$0x18400] =	vst v63  }
0x7d: {  	s12 =	simm.s32 $0x7400  }
0x7e: {  	[tilespmem:s12], [sflag:$0x3] =	stream.indirect_vreg.gather [hbm4b:s6+s3], $0x80, v4, vm0, $0xb8;
	[tilespmem:$0x18400] =	vst v63  }
0x7f: {  	s12 =	simm.s32 $0x7C00  }
0x80: {  	[tilespmem:s12], [sflag:$0x3] =	stream.indirect_vreg.gather [hbm4b:s1+s3], $0x80, v3, vm0, $0xb8;
	[tilespmem:$0x18400] =	vst v63  }
0x81: {  	s12 =	simm.s32 $0x8400  }
0x82: {  	[tilespmem:s12], [sflag:$0x3] =	stream.indirect_vreg.gather [hbm4b:s5+s3], $0x80, v3, vm0, $0xb8;
	[tilespmem:$0x18400] =	vst v63  }
0x83: {  	s12 =	simm.s32 $0x8C00  }
0x84: {  	[tilespmem:s12], [sflag:$0x3] =	stream.indirect_vreg.gather [hbm4b:s6+s3], $0x80, v3, vm0, $0xb8;
	[tilespmem:$0x18400] =	vst v63  }
0x85: {  	v3 =	vld [tilespmem:$0x30];
	_ =	sdelay $0x4  }
0x86: {  	v55 =	vshrl.u32 v3, $0x3  }
0x87: {  	v4 =	vmul.u32 $0x30, v55  }
0x88: {  	v3 =	vand.u32 $0x7, v3  }
0x89: {  	v3 =	vor.u32 v3, v4  }
0x8a: {  	v4 =	vperm.xlane v3, v0;
	_ =	sdelay $0x1  }
0x8b: {  	v4 =	vadd.s32 v1, v4;
	_ =	sdelay $0x3  }
0x8c: {  	v3 =	vperm.xlane v3, v2  }
0x8d: {  	[tilespmem:s21], [sflag:$0x4] =	stream.indirect_vreg.gather [hbm4b:s1+s3], $0x80, v4, vm0, $0xb8;
	[tilespmem:$0x18400] =	vst v63  }
0x8e: {  	s12 =	simm.s32 $0x9C00;
	v3 =	vadd.s32 v1, v3  }
0x8f: {  	[tilespmem:s12], [sflag:$0x4] =	stream.indirect_vreg.gather [hbm4b:s5+s3], $0x80, v4, vm0, $0xb8;
	[tilespmem:$0x18400] =	vst v63  }
0x90: {  	s12 =	simm.s32 $0xA400  }
0x91: {  	[tilespmem:s12], [sflag:$0x4] =	stream.indirect_vreg.gather [hbm4b:s6+s3], $0x80, v4, vm0, $0xb8;
	[tilespmem:$0x18400] =	vst v63  }
0x92: {  	s12 =	simm.s32 $0xAC00  }
0x93: {  	[tilespmem:s12], [sflag:$0x4] =	stream.indirect_vreg.gather [hbm4b:s1+s3], $0x80, v3, vm0, $0xb8;
	[tilespmem:$0x18400] =	vst v63  }
0x94: {  	s12 =	simm.s32 $0xB400  }
0x95: {  	[tilespmem:s12], [sflag:$0x4] =	stream.indirect_vreg.gather [hbm4b:s5+s3], $0x80, v3, vm0, $0xb8;
	[tilespmem:$0x18400] =	vst v63  }
0x96: {  	s12 =	simm.s32 $0xBC00  }
0x97: {  	[tilespmem:s12], [sflag:$0x4] =	stream.indirect_vreg.gather [hbm4b:s6+s3], $0x80, v3, vm0, $0xb8;
	[tilespmem:$0x18400] =	vst v63  }
0x98: {  	_ =	swait.ge [sflag:s8], $0x3000  }
0x99: {  	[sflag:s8] =	ssyncset.done $0x0  }
0x9a: {  	s12 =	rddreg [dreg:$0x5];
	[sflag:s8] =	ssyncadd.s32 $0xFFFFD000  }
0x9b: {  	[hbm4b:s12+s3] =	stream.linear.scatter [tilespmem:s16], [sflag:$0x9], $0x3000, $0x38;
	[tilespmem:$0x18400] =	vst v63  }
0x9c: {  	v3 =	vld [tilespmem:$0x40];
	_ =	sdelay $0x4  }
0x9d: {  	v56 =	vshrl.u32 v3, $0x3  }
0x9e: {  	v4 =	vmul.u32 $0x30, v56  }
0x9f: {  	v3 =	vand.u32 $0x7, v3  }
0xa0: {  	v3 =	vor.u32 v3, v4  }
0xa1: {  	v4 =	vperm.xlane v3, v0;
	_ =	sdelay $0x1  }
0xa2: {  	v4 =	vadd.s32 v1, v4;
	_ =	sdelay $0x3  }
0xa3: {  	v3 =	vperm.xlane v3, v2  }
0xa4: {  	[tilespmem:s9], [sflag:$0x5] =	stream.indirect_vreg.gather [hbm4b:s1+s3], $0x80, v4, vm0, $0xb8;
	[tilespmem:$0x18400] =	vst v63  }
0xa5: {  	s12 =	simm.s32 $0xCC00;
	v3 =	vadd.s32 v1, v3  }
0xa6: {  	[tilespmem:s12], [sflag:$0x5] =	stream.indirect_vreg.gather [hbm4b:s5+s3], $0x80, v4, vm0, $0xb8;
	[tilespmem:$0x18400] =	vst v63  }
0xa7: {  	s12 =	simm.s32 $0xD400  }
0xa8: {  	[tilespmem:s12], [sflag:$0x5] =	stream.indirect_vreg.gather [hbm4b:s6+s3], $0x80, v4, vm0, $0xb8;
	[tilespmem:$0x18400] =	vst v63  }
0xa9: {  	s12 =	simm.s32 $0xDC00  }
0xaa: {  	[tilespmem:s12], [sflag:$0x5] =	stream.indirect_vreg.gather [hbm4b:s1+s3], $0x80, v3, vm0, $0xb8;
	[tilespmem:$0x18400] =	vst v63  }
0xab: {  	s12 =	simm.s32 $0xE400  }
0xac: {  	[tilespmem:s12], [sflag:$0x5] =	stream.indirect_vreg.gather [hbm4b:s5+s3], $0x80, v3, vm0, $0xb8;
	[tilespmem:$0x18400] =	vst v63  }
0xad: {  	s12 =	simm.s32 $0xEC00  }
0xae: {  	[tilespmem:s12], [sflag:$0x5] =	stream.indirect_vreg.gather [hbm4b:s6+s3], $0x80, v3, vm0, $0xb8;
	[tilespmem:$0x18400] =	vst v63  }
0xaf: {  	_ =	swait.ge [sflag:s29], $0x3000  }
0xb0: {  	[sflag:s29] =	ssyncset.done $0x0  }
0xb1: {  	s12 =	rddreg [dreg:$0x6];
	[sflag:s29] =	ssyncadd.s32 $0xFFFFD000  }
0xb2: {  	[hbm4b:s12+s3] =	stream.linear.scatter [tilespmem:s17], [sflag:$0xA], $0x3000, $0x38;
	[tilespmem:$0x18400] =	vst v63  }
0xb3: {  	v3 =	vld [tilespmem:$0x50];
	_ =	sdelay $0x4  }
0xb4: {  	v57 =	vshrl.u32 v3, $0x3  }
0xb5: {  	v4 =	vmul.u32 $0x30, v57  }
0xb6: {  	v3 =	vand.u32 $0x7, v3  }
0xb7: {  	v3 =	vor.u32 v3, v4  }
0xb8: {  	v4 =	vperm.xlane v3, v0;
	_ =	sdelay $0x1  }
0xb9: {  	v4 =	vadd.s32 v1, v4;
	_ =	sdelay $0x3  }
0xba: {  	v3 =	vperm.xlane v3, v2  }
0xbb: {  	[tilespmem:s7], [sflag:$0x6] =	stream.indirect_vreg.gather [hbm4b:s1+s3], $0x80, v4, vm0, $0xb8;
	[tilespmem:$0x18400] =	vst v63  }
0xbc: {  	s12 =	simm.s32 $0xFC00;
	v3 =	vadd.s32 v1, v3  }
0xbd: {  	[tilespmem:s12], [sflag:$0x6] =	stream.indirect_vreg.gather [hbm4b:s5+s3], $0x80, v4, vm0, $0xb8;
	[tilespmem:$0x18400] =	vst v63  }
0xbe: {  	s12 =	simm.s32 $0x10400  }
0xbf: {  	[tilespmem:s12], [sflag:$0x6] =	stream.indirect_vreg.gather [hbm4b:s6+s3], $0x80, v4, vm0, $0xb8;
	[tilespmem:$0x18400] =	vst v63  }
0xc0: {  	s12 =	simm.s32 $0x10C00  }
0xc1: {  	[tilespmem:s12], [sflag:$0x6] =	stream.indirect_vreg.gather [hbm4b:s1+s3], $0x80, v3, vm0, $0xb8;
	[tilespmem:$0x18400] =	vst v63  }
0xc2: {  	s12 =	simm.s32 $0x11400  }
0xc3: {  	[tilespmem:s12], [sflag:$0x6] =	stream.indirect_vreg.gather [hbm4b:s5+s3], $0x80, v3, vm0, $0xb8;
	[tilespmem:$0x18400] =	vst v63  }
0xc4: {  	s12 =	simm.s32 $0x11C00  }
0xc5: {  	[tilespmem:s12], [sflag:$0x6] =	stream.indirect_vreg.gather [hbm4b:s6+s3], $0x80, v3, vm0, $0xb8;
	[tilespmem:$0x18400] =	vst v63  }
0xc6: {  	_ =	swait.ge [sflag:s4], $0x3000  }
0xc7: {  	[sflag:s4] =	ssyncset.done $0x0  }
0xc8: {  	s12 =	rddreg [dreg:$0x7];
	[sflag:s4] =	ssyncadd.s32 $0xFFFFD000  }
0xc9: {  	[hbm4b:s12+s3] =	stream.linear.scatter [tilespmem:s18], [sflag:$0xB], $0x3000, $0x38;
	[tilespmem:$0x18400] =	vst v63  }
0xca: {  	v3 =	vld [tilespmem:$0x60];
	_ =	sdelay $0x4  }
0xcb: {  	v58 =	vshrl.u32 v3, $0x3  }
0xcc: {  	v4 =	vmul.u32 $0x30, v58  }
0xcd: {  	v3 =	vand.u32 $0x7, v3  }
0xce: {  	v3 =	vor.u32 v3, v4  }
0xcf: {  	v4 =	vperm.xlane v3, v0;
	_ =	sdelay $0x1  }
0xd0: {  	v4 =	vadd.s32 v1, v4;
	_ =	sdelay $0x3  }
0xd1: {  	v3 =	vperm.xlane v3, v2  }
0xd2: {  	[tilespmem:s10], [sflag:$0x7] =	stream.indirect_vreg.gather [hbm4b:s1+s3], $0x80, v4, vm0, $0xb8;
	[tilespmem:$0x18400] =	vst v63  }
0xd3: {  	s12 =	simm.s32 $0x12C00;
	v3 =	vadd.s32 v1, v3  }
0xd4: {  	[tilespmem:s12], [sflag:$0x7] =	stream.indirect_vreg.gather [hbm4b:s5+s3], $0x80, v4, vm0, $0xb8;
	[tilespmem:$0x18400] =	vst v63  }
0xd5: {  	s12 =	simm.s32 $0x13400  }
0xd6: {  	[tilespmem:s12], [sflag:$0x7] =	stream.indirect_vreg.gather [hbm4b:s6+s3], $0x80, v4, vm0, $0xb8;
	[tilespmem:$0x18400] =	vst v63  }
0xd7: {  	s12 =	simm.s32 $0x13C00  }
0xd8: {  	[tilespmem:s12], [sflag:$0x7] =	stream.indirect_vreg.gather [hbm4b:s1+s3], $0x80, v3, vm0, $0xb8;
	[tilespmem:$0x18400] =	vst v63  }
0xd9: {  	s12 =	simm.s32 $0x14400  }
0xda: {  	[tilespmem:s12], [sflag:$0x7] =	stream.indirect_vreg.gather [hbm4b:s5+s3], $0x80, v3, vm0, $0xb8;
	[tilespmem:$0x18400] =	vst v63  }
0xdb: {  	s12 =	simm.s32 $0x14C00  }
0xdc: {  	[tilespmem:s12], [sflag:$0x7] =	stream.indirect_vreg.gather [hbm4b:s6+s3], $0x80, v3, vm0, $0xb8;
	[tilespmem:$0x18400] =	vst v63  }
0xdd: {  	_ =	swait.ge [sflag:s26], $0x3000  }
0xde: {  	[sflag:s26] =	ssyncset.done $0x0  }
0xdf: {  	s12 =	rddreg [dreg:$0x8];
	[sflag:s26] =	ssyncadd.s32 $0xFFFFD000  }
0xe0: {  	[hbm4b:s12+s3] =	stream.linear.scatter [tilespmem:s21], [sflag:$0xC], $0x3000, $0x38;
	[tilespmem:$0x18400] =	vst v63  }
0xe1: {  	v3 =	vld [tilespmem:$0x70];
	_ =	sdelay $0x4  }
0xe2: {  	v59 =	vshrl.u32 v3, $0x3  }
0xe3: {  	v4 =	vmul.u32 $0x30, v59  }
0xe4: {  	v3 =	vand.u32 $0x7, v3  }
0xe5: {  	v3 =	vor.u32 v3, v4  }
0xe6: {  	v4 =	vperm.xlane v3, v0;
	_ =	sdelay $0x1  }
0xe7: {  	v4 =	vadd.s32 v1, v4;
	_ =	sdelay $0x3  }
0xe8: {  	v3 =	vperm.xlane v3, v2  }
0xe9: {  	[tilespmem:s31], [sflag:$0x8] =	stream.indirect_vreg.gather [hbm4b:s1+s3], $0x80, v4, vm0, $0xb8;
	[tilespmem:$0x18400] =	vst v63  }
0xea: {  	s12 =	simm.s32 $0x15C00;
	v3 =	vadd.s32 v1, v3  }
0xeb: {  	[tilespmem:s12], [sflag:$0x8] =	stream.indirect_vreg.gather [hbm4b:s5+s3], $0x80, v4, vm0, $0xb8;
	[tilespmem:$0x18400] =	vst v63  }
0xec: {  	s12 =	simm.s32 $0x16400  }
0xed: {  	[tilespmem:s12], [sflag:$0x8] =	stream.indirect_vreg.gather [hbm4b:s6+s3], $0x80, v4, vm0, $0xb8;
	[tilespmem:$0x18400] =	vst v63  }
0xee: {  	s12 =	simm.s32 $0x16C00  }
0xef: {  	[tilespmem:s12], [sflag:$0x8] =	stream.indirect_vreg.gather [hbm4b:s1+s3], $0x80, v3, vm0, $0xb8;
	[tilespmem:$0x18400] =	vst v63  }
0xf0: {  	s12 =	simm.s32 $0x17400  }
0xf1: {  	[tilespmem:s12], [sflag:$0x8] =	stream.indirect_vreg.gather [hbm4b:s5+s3], $0x80, v3, vm0, $0xb8;
	[tilespmem:$0x18400] =	vst v63  }
0xf2: {  	s12 =	simm.s32 $0x17C00  }
0xf3: {  	[tilespmem:s12], [sflag:$0x8] =	stream.indirect_vreg.gather [hbm4b:s6+s3], $0x80, v3, vm0, $0xb8;
	[tilespmem:$0x18400] =	vst v63  }
0xf4: {  	_ =	swait.ge [sflag:s13], $0x3000  }
0xf5: {  	[sflag:s13] =	ssyncset.done $0x0  }
0xf6: {  	s12 =	rddreg [dreg:$0x9];
	[sflag:s13] =	ssyncadd.s32 $0xFFFFD000  }
0xf7: {  	[hbm4b:s12+s3] =	stream.linear.scatter [tilespmem:s9], [sflag:$0xD], $0x3000, $0x38;
	[tilespmem:$0x18400] =	vst v63  }
0xf8: {  	_ =	swait.ge [sflag:s22], $0x3000  }
0xf9: {  	[sflag:s22] =	ssyncset.done $0x0  }
0xfa: {  	[sflag:s22] =	ssyncadd.s32 $0xFFFFD000  }
0xfb: {  	v3 =	vld [tilespmem:$0x80];
	_ =	sdelay $0x4  }
0xfc: {  	v60 =	vshrl.u32 v3, $0x3  }
0xfd: {  	v4 =	vmul.u32 $0x30, v60  }
0xfe: {  	v3 =	vand.u32 $0x7, v3  }
0xff: {  	v3 =	vor.u32 v3, v4  }
0x100: {  	v4 =	vperm.xlane v3, v0;
	_ =	sdelay $0x1  }
0x101: {  	v4 =	vadd.s32 v1, v4;
	_ =	sdelay $0x3  }
0x102: {  	v3 =	vperm.xlane v3, v2  }
0x103: {  	[tilespmem:s16], [sflag:$0x1] =	stream.indirect_vreg.gather [hbm4b:s1+s3], $0x80, v4, vm0, $0xb8;
	[tilespmem:$0x18400] =	vst v63  }
0x104: {  	v3 =	vadd.s32 v1, v3  }
0x105: {  	[tilespmem:s19], [sflag:$0x1] =	stream.indirect_vreg.gather [hbm4b:s5+s3], $0x80, v4, vm0, $0xb8;
	[tilespmem:$0x18400] =	vst v63  }
0x106: {  	_ = 	snop  }
0x107: {  	[tilespmem:s20], [sflag:$0x1] =	stream.indirect_vreg.gather [hbm4b:s6+s3], $0x80, v4, vm0, $0xb8;
	[tilespmem:$0x18400] =	vst v63  }
0x108: {  	s16 =	simm.s32 $0x1C00  }
0x109: {  	[tilespmem:s16], [sflag:$0x1] =	stream.indirect_vreg.gather [hbm4b:s1+s3], $0x80, v3, vm0, $0xb8;
	[tilespmem:$0x18400] =	vst v63  }
0x10a: {  	s19 =	simm.s32 $0x2400  }
0x10b: {  	[tilespmem:s19], [sflag:$0x1] =	stream.indirect_vreg.gather [hbm4b:s5+s3], $0x80, v3, vm0, $0xb8;
	[tilespmem:$0x18400] =	vst v63  }
0x10c: {  	s20 =	simm.s32 $0x2C00  }
0x10d: {  	[tilespmem:s20], [sflag:$0x1] =	stream.indirect_vreg.gather [hbm4b:s6+s3], $0x80, v3, vm0, $0xb8;
	[tilespmem:$0x18400] =	vst v63  }
0x10e: {  	_ =	swait.ge [sflag:s14], $0x3000  }
0x10f: {  	[sflag:s14] =	ssyncset.done $0x0  }
0x110: {  	s22 =	rddreg [dreg:$0xa];
	[sflag:s14] =	ssyncadd.s32 $0xFFFFD000  }
0x111: {  	[hbm4b:s22+s3] =	stream.linear.scatter [tilespmem:s7], [sflag:$0xE], $0x3000, $0x38;
	[tilespmem:$0x18400] =	vst v63  }
0x112: {  	_ =	swait.ge [sflag:s23], $0x3000  }
0x113: {  	[sflag:s23] =	ssyncset.done $0x0  }
0x114: {  	[sflag:s23] =	ssyncadd.s32 $0xFFFFD000  }
0x115: {  	v3 =	vld [tilespmem:$0x90];
	_ =	sdelay $0x4  }
0x116: {  	v61 =	vshrl.u32 v3, $0x3  }
0x117: {  	v4 =	vmul.u32 $0x30, v61  }
0x118: {  	v3 =	vand.u32 $0x7, v3  }
0x119: {  	v3 =	vor.u32 v3, v4  }
0x11a: {  	v4 =	vperm.xlane v3, v0;
	_ =	sdelay $0x1  }
0x11b: {  	v4 =	vadd.s32 v1, v4;
	_ =	sdelay $0x3  }
0x11c: {  	v3 =	vperm.xlane v3, v2  }
0x11d: {  	[tilespmem:s17], [sflag:$0x2] =	stream.indirect_vreg.gather [hbm4b:s1+s3], $0x80, v4, vm0, $0xb8;
	[tilespmem:$0x18400] =	vst v63  }
0x11e: {  	s23 =	simm.s32 $0x3C00;
	v3 =	vadd.s32 v1, v3  }
0x11f: {  	[tilespmem:s23], [sflag:$0x2] =	stream.indirect_vreg.gather [hbm4b:s5+s3], $0x80, v4, vm0, $0xb8;
	[tilespmem:$0x18400] =	vst v63  }
0x120: {  	s16 =	simm.s32 $0x4400  }
0x121: {  	[tilespmem:s16], [sflag:$0x2] =	stream.indirect_vreg.gather [hbm4b:s6+s3], $0x80, v4, vm0, $0xb8;
	[tilespmem:$0x18400] =	vst v63  }
0x122: {  	s17 =	simm.s32 $0x4C00  }
0x123: {  	[tilespmem:s17], [sflag:$0x2] =	stream.indirect_vreg.gather [hbm4b:s1+s3], $0x80, v3, vm0, $0xb8;
	[tilespmem:$0x18400] =	vst v63  }
0x124: {  	s19 =	simm.s32 $0x5400  }
0x125: {  	[tilespmem:s19], [sflag:$0x2] =	stream.indirect_vreg.gather [hbm4b:s5+s3], $0x80, v3, vm0, $0xb8;
	[tilespmem:$0x18400] =	vst v63  }
0x126: {  	s20 =	simm.s32 $0x5C00  }
0x127: {  	[tilespmem:s20], [sflag:$0x2] =	stream.indirect_vreg.gather [hbm4b:s6+s3], $0x80, v3, vm0, $0xb8;
	[tilespmem:$0x18400] =	vst v63  }
0x128: {  	_ =	swait.ge [sflag:s15], $0x3000  }
0x129: {  	[sflag:s15] =	ssyncset.done $0x0  }
0x12a: {  	s22 =	rddreg [dreg:$0xb];
	[sflag:s15] =	ssyncadd.s32 $0xFFFFD000  }
0x12b: {  	[hbm4b:s22+s3] =	stream.linear.scatter [tilespmem:s10], [sflag:$0xF], $0x3000, $0x38;
	[tilespmem:$0x18400] =	vst v63  }
0x12c: {  	_ =	swait.ge [sflag:s30], $0x3000  }
0x12d: {  	[sflag:s30] =	ssyncset.done $0x0  }
0x12e: {  	[sflag:s30] =	ssyncadd.s32 $0xFFFFD000  }
0x12f: {  	v3 =	vld [tilespmem:$0xA0];
	_ =	sdelay $0x4  }
0x130: {  	v62 =	vshrl.u32 v3, $0x3  }
0x131: {  	v4 =	vmul.u32 $0x30, v62  }
0x132: {  	v3 =	vand.u32 $0x7, v3  }
0x133: {  	v3 =	vor.u32 v3, v4  }
0x134: {  	v4 =	vperm.xlane v3, v0;
	_ =	sdelay $0x1  }
0x135: {  	v4 =	vadd.s32 v1, v4;
	_ =	sdelay $0x3  }
0x136: {  	v3 =	vperm.xlane v3, v2  }
0x137: {  	[tilespmem:s18], [sflag:$0x3] =	stream.indirect_vreg.gather [hbm4b:s1+s3], $0x80, v4, vm0, $0xb8;
	[tilespmem:$0x18400] =	vst v63  }
0x138: {  	s23 =	simm.s32 $0x6C00;
	v3 =	vadd.s32 v1, v3  }
0x139: {  	[tilespmem:s23], [sflag:$0x3] =	stream.indirect_vreg.gather [hbm4b:s5+s3], $0x80, v4, vm0, $0xb8;
	[tilespmem:$0x18400] =	vst v63  }
0x13a: {  	s16 =	simm.s32 $0x7400  }
0x13b: {  	[tilespmem:s16], [sflag:$0x3] =	stream.indirect_vreg.gather [hbm4b:s6+s3], $0x80, v4, vm0, $0xb8;
	[tilespmem:$0x18400] =	vst v63  }
0x13c: {  	s17 =	simm.s32 $0x7C00  }
0x13d: {  	[tilespmem:s17], [sflag:$0x3] =	stream.indirect_vreg.gather [hbm4b:s1+s3], $0x80, v3, vm0, $0xb8;
	[tilespmem:$0x18400] =	vst v63  }
0x13e: {  	s18 =	simm.s32 $0x8400  }
0x13f: {  	[tilespmem:s18], [sflag:$0x3] =	stream.indirect_vreg.gather [hbm4b:s5+s3], $0x80, v3, vm0, $0xb8;
	[tilespmem:$0x18400] =	vst v63  }
0x140: {  	s19 =	simm.s32 $0x8C00  }
0x141: {  	[tilespmem:s19], [sflag:$0x3] =	stream.indirect_vreg.gather [hbm4b:s6+s3], $0x80, v3, vm0, $0xb8;
	[tilespmem:$0x18400] =	vst v63  }
0x142: {  	_ =	swait.ge [sflag:s28], $0x3000  }
0x143: {  	[sflag:s28] =	ssyncset.done $0x0  }
0x144: {  	s20 =	rddreg [dreg:$0xc];
	[sflag:s28] =	ssyncadd.s32 $0xFFFFD000  }
0x145: {  	[hbm4b:s20+s3] =	stream.linear.scatter [tilespmem:s31], [sflag:$0x10], $0x3000, $0x38;
	[tilespmem:$0x18400] =	vst v63  }
0x146: {  	_ =	swait.ge [sflag:s11], $0x3000  }
0x147: {  	[sflag:s11] =	ssyncset.done $0x0  }
0x148: {  	[sflag:s11] =	ssyncadd.s32 $0xFFFFD000  }
0x149: {  	v3 =	vld [tilespmem:$0xB0];
	_ =	sdelay $0x4  }
0x14a: {  	v63 =	vshrl.u32 v3, $0x3  }
0x14b: {  	v4 =	vmul.u32 $0x30, v63  }
0x14c: {  	v3 =	vand.u32 $0x7, v3  }
0x14d: {  	v3 =	vor.u32 v3, v4  }
0x14e: {  	v4 =	vperm.xlane v3, v0;
	_ =	sdelay $0x1  }
0x14f: {  	v4 =	vadd.s32 v1, v4;
	_ =	sdelay $0x3  }
0x150: {  	v3 =	vperm.xlane v3, v2  }
0x151: {  	[tilespmem:s21], [sflag:$0x4] =	stream.indirect_vreg.gather [hbm4b:s1+s3], $0x80, v4, vm0, $0xb8;
	[tilespmem:$0x18400] =	vst v63  }
0x152: {  	s22 =	simm.s32 $0x9C00;
	v3 =	vadd.s32 v1, v3  }
0x153: {  	[tilespmem:s22], [sflag:$0x4] =	stream.indirect_vreg.gather [hbm4b:s5+s3], $0x80, v4, vm0, $0xb8;
	[tilespmem:$0x18400] =	vst v63  }
0x154: {  	s12 =	simm.s32 $0x130;
	s30 =	simm.s32 $0xBC00;
	s23 =	simm.s32 $0xA400  }
0x155: {  	[tilespmem:s23], [sflag:$0x4] =	stream.indirect_vreg.gather [hbm4b:s6+s3], $0x80, v4, vm0, $0xb8;
	[tilespmem:$0x18400] =	vst v63  }
0x156: {  	s16 =	simm.s32 $0xAC00;
	s17 =	simm.s32 $0xB400;
	s18 =	simm.s32 $0xBC00  }
0x157: {  	[tilespmem:s16], [sflag:$0x4] =	stream.indirect_vreg.gather [hbm4b:s1+s3], $0x80, v3, vm0, $0xb8;
	[tilespmem:$0x18400] =	vst v63  }
0x158: {  	s19 =	simm.s32 $0xB400;
	s20 =	simm.s32 $0x9400;
	s21 =	simm.s32 $0x9C00  }
0x159: {  	[tilespmem:s17], [sflag:$0x4] =	stream.indirect_vreg.gather [hbm4b:s5+s3], $0x80, v3, vm0, $0xb8;
	[tilespmem:$0x18400] =	vst v63  }
0x15a: {  	s22 =	simm.s32 $0xA400;
	s23 =	simm.s32 $0xAC00;
	s16 =	simm.s32 $0x0  }
0x15b: {  	[tilespmem:s18], [sflag:$0x4] =	stream.indirect_vreg.gather [hbm4b:s6+s3], $0x80, v3, vm0, $0xb8;
	[tilespmem:$0x18400] =	vst v63  }
.LBB2_2:
0x15c: {  	_ =	swait.ge [sflag:s8], $0x3000  }
0x15d: {  	[sflag:s8] =	ssyncset.done $0x0;
	s17 =	rddreg [dreg:$0x14]  }
0x15e: {  	s18 =	simm.s32 $0x400;
	[sflag:s8] =	ssyncadd.s32 $0xFFFFD000;
	s17 =	sadd.s32 s16, s17  }
0x15f: {  	[hbm4b:s17+s3] =	stream.linear.scatter [tilespmem:s18], [sflag:$0x9], $0x3000, $0x38;
	[tilespmem:$0x18400] =	vst v63  }
0x160: {  	_ =	swait.ge [sflag:s0], $0x3000  }
0x161: {  	[sflag:s0] =	ssyncset.done $0x0  }
0x162: {  	[sflag:s0] =	ssyncadd.s32 $0xFFFFD000  }
0x163: {  	v3 =	vld [tilespmem:s12+$0xFFFFFF90];
	_ =	sdelay $0x4  }
0x164: {  	v4 =	vshrl.u32 v3, $0x3  }
0x165: {  	v4 =	vmul.u32 $0x30, v4  }
0x166: {  	v3 =	vand.u32 $0x7, v3  }
0x167: {  	v3 =	vor.u32 v3, v4  }
0x168: {  	v4 =	vperm.xlane v3, v0;
	_ =	sdelay $0x1  }
0x169: {  	v4 =	vadd.s32 v1, v4;
	_ =	sdelay $0x3  }
0x16a: {  	v3 =	vperm.xlane v3, v2  }
0x16b: {  	[tilespmem:s9], [sflag:$0x5] =	stream.indirect_vreg.gather [hbm4b:s1+s3], $0x80, v4, vm0, $0xb8;
	[tilespmem:$0x18400] =	vst v63  }
0x16c: {  	s18 =	simm.s32 $0xCC00;
	v3 =	vadd.s32 v1, v3  }
0x16d: {  	[tilespmem:s18], [sflag:$0x5] =	stream.indirect_vreg.gather [hbm4b:s5+s3], $0x80, v4, vm0, $0xb8;
	[tilespmem:$0x18400] =	vst v63  }
0x16e: {  	s18 =	simm.s32 $0xD400  }
0x16f: {  	[tilespmem:s18], [sflag:$0x5] =	stream.indirect_vreg.gather [hbm4b:s6+s3], $0x80, v4, vm0, $0xb8;
	[tilespmem:$0x18400] =	vst v63  }
0x170: {  	s18 =	simm.s32 $0xDC00  }
0x171: {  	[tilespmem:s18], [sflag:$0x5] =	stream.indirect_vreg.gather [hbm4b:s1+s3], $0x80, v3, vm0, $0xb8;
	[tilespmem:$0x18400] =	vst v63  }
0x172: {  	s18 =	simm.s32 $0xE400  }
0x173: {  	[tilespmem:s18], [sflag:$0x5] =	stream.indirect_vreg.gather [hbm4b:s5+s3], $0x80, v3, vm0, $0xb8;
	[tilespmem:$0x18400] =	vst v63  }
0x174: {  	s18 =	simm.s32 $0xEC00  }
0x175: {  	[tilespmem:s18], [sflag:$0x5] =	stream.indirect_vreg.gather [hbm4b:s6+s3], $0x80, v3, vm0, $0xb8;
	[tilespmem:$0x18400] =	vst v63  }
0x176: {  	_ =	swait.ge [sflag:s29], $0x3000  }
0x177: {  	[sflag:s29] =	ssyncset.done $0x0;
	s18 =	rddreg [dreg:$0x13]  }
0x178: {  	[sflag:s29] =	ssyncadd.s32 $0xFFFFD000;
	s17 =	sadd.s32 s16, s18;
	s18 =	simm.s32 $0x3400  }
0x179: {  	[hbm4b:s17+s3] =	stream.linear.scatter [tilespmem:s18], [sflag:$0xA], $0x3000, $0x38;
	[tilespmem:$0x18400] =	vst v63  }
0x17a: {  	_ =	swait.ge [sflag:s2], $0x3000  }
0x17b: {  	[sflag:s2] =	ssyncset.done $0x0  }
0x17c: {  	[sflag:s2] =	ssyncadd.s32 $0xFFFFD000  }
0x17d: {  	v3 =	vld [tilespmem:s12+$0xFFFFFFA0];
	_ =	sdelay $0x4  }
0x17e: {  	v61 =	vshrl.u32 v3, $0x3  }
0x17f: {  	v4 =	vmul.u32 $0x30, v61  }
0x180: {  	v3 =	vand.u32 $0x7, v3  }
0x181: {  	v3 =	vor.u32 v3, v4  }
0x182: {  	v4 =	vperm.xlane v3, v0;
	_ =	sdelay $0x1  }
0x183: {  	v4 =	vadd.s32 v1, v4;
	_ =	sdelay $0x3  }
0x184: {  	v3 =	vperm.xlane v3, v2  }
0x185: {  	[tilespmem:s7], [sflag:$0x6] =	stream.indirect_vreg.gather [hbm4b:s1+s3], $0x80, v4, vm0, $0xb8;
	[tilespmem:$0x18400] =	vst v63  }
0x186: {  	s18 =	simm.s32 $0xFC00;
	v3 =	vadd.s32 v1, v3  }
0x187: {  	[tilespmem:s18], [sflag:$0x6] =	stream.indirect_vreg.gather [hbm4b:s5+s3], $0x80, v4, vm0, $0xb8;
	[tilespmem:$0x18400] =	vst v63  }
0x188: {  	s18 =	simm.s32 $0x10400  }
0x189: {  	[tilespmem:s18], [sflag:$0x6] =	stream.indirect_vreg.gather [hbm4b:s6+s3], $0x80, v4, vm0, $0xb8;
	[tilespmem:$0x18400] =	vst v63  }
0x18a: {  	s18 =	simm.s32 $0x10C00  }
0x18b: {  	[tilespmem:s18], [sflag:$0x6] =	stream.indirect_vreg.gather [hbm4b:s1+s3], $0x80, v3, vm0, $0xb8;
	[tilespmem:$0x18400] =	vst v63  }
0x18c: {  	s18 =	simm.s32 $0x11400  }
0x18d: {  	[tilespmem:s18], [sflag:$0x6] =	stream.indirect_vreg.gather [hbm4b:s5+s3], $0x80, v3, vm0, $0xb8;
	[tilespmem:$0x18400] =	vst v63  }
0x18e: {  	s18 =	simm.s32 $0x11C00  }
0x18f: {  	[tilespmem:s18], [sflag:$0x6] =	stream.indirect_vreg.gather [hbm4b:s6+s3], $0x80, v3, vm0, $0xb8;
	[tilespmem:$0x18400] =	vst v63  }
0x190: {  	_ =	swait.ge [sflag:s4], $0x3000  }
0x191: {  	[sflag:s4] =	ssyncset.done $0x0;
	s18 =	rddreg [dreg:$0x12]  }
0x192: {  	[sflag:s4] =	ssyncadd.s32 $0xFFFFD000;
	s17 =	sadd.s32 s16, s18;
	s18 =	simm.s32 $0x6400  }
0x193: {  	[hbm4b:s17+s3] =	stream.linear.scatter [tilespmem:s18], [sflag:$0xB], $0x3000, $0x38;
	[tilespmem:$0x18400] =	vst v63  }
0x194: {  	_ =	swait.ge [sflag:s25], $0x3000  }
0x195: {  	[sflag:s25] =	ssyncset.done $0x0  }
0x196: {  	[sflag:s25] =	ssyncadd.s32 $0xFFFFD000  }
0x197: {  	v3 =	vld [tilespmem:s12+$0xFFFFFFB0];
	_ =	sdelay $0x4  }
0x198: {  	v62 =	vshrl.u32 v3, $0x3  }
0x199: {  	v4 =	vmul.u32 $0x30, v62  }
0x19a: {  	v3 =	vand.u32 $0x7, v3  }
0x19b: {  	v3 =	vor.u32 v3, v4  }
0x19c: {  	v4 =	vperm.xlane v3, v0;
	_ =	sdelay $0x1  }
0x19d: {  	v4 =	vadd.s32 v1, v4;
	_ =	sdelay $0x3  }
0x19e: {  	v3 =	vperm.xlane v3, v2  }
0x19f: {  	[tilespmem:s10], [sflag:$0x7] =	stream.indirect_vreg.gather [hbm4b:s1+s3], $0x80, v4, vm0, $0xb8;
	[tilespmem:$0x18400] =	vst v63  }
0x1a0: {  	s18 =	simm.s32 $0x12C00;
	v3 =	vadd.s32 v1, v3  }
0x1a1: {  	[tilespmem:s18], [sflag:$0x7] =	stream.indirect_vreg.gather [hbm4b:s5+s3], $0x80, v4, vm0, $0xb8;
	[tilespmem:$0x18400] =	vst v63  }
0x1a2: {  	s18 =	simm.s32 $0x13400  }
0x1a3: {  	[tilespmem:s18], [sflag:$0x7] =	stream.indirect_vreg.gather [hbm4b:s6+s3], $0x80, v4, vm0, $0xb8;
	[tilespmem:$0x18400] =	vst v63  }
0x1a4: {  	s18 =	simm.s32 $0x13C00  }
0x1a5: {  	[tilespmem:s18], [sflag:$0x7] =	stream.indirect_vreg.gather [hbm4b:s1+s3], $0x80, v3, vm0, $0xb8;
	[tilespmem:$0x18400] =	vst v63  }
0x1a6: {  	s18 =	simm.s32 $0x14400  }
0x1a7: {  	[tilespmem:s18], [sflag:$0x7] =	stream.indirect_vreg.gather [hbm4b:s5+s3], $0x80, v3, vm0, $0xb8;
	[tilespmem:$0x18400] =	vst v63  }
0x1a8: {  	s18 =	simm.s32 $0x14C00  }
0x1a9: {  	[tilespmem:s18], [sflag:$0x7] =	stream.indirect_vreg.gather [hbm4b:s6+s3], $0x80, v3, vm0, $0xb8;
	[tilespmem:$0x18400] =	vst v63  }
0x1aa: {  	_ =	swait.ge [sflag:s26], $0x3000  }
0x1ab: {  	[sflag:s26] =	ssyncset.done $0x0;
	s18 =	rddreg [dreg:$0x11]  }
0x1ac: {  	[sflag:s26] =	ssyncadd.s32 $0xFFFFD000;
	s17 =	sadd.s32 s16, s18  }
0x1ad: {  	[hbm4b:s17+s3] =	stream.linear.scatter [tilespmem:s20], [sflag:$0xC], $0x3000, $0x38;
	[tilespmem:$0x18400] =	vst v63  }
0x1ae: {  	_ =	swait.ge [sflag:s24], $0x3000  }
0x1af: {  	[sflag:s24] =	ssyncset.done $0x0  }
0x1b0: {  	[sflag:s24] =	ssyncadd.s32 $0xFFFFD000  }
0x1b1: {  	v3 =	vld [tilespmem:s12+$0xFFFFFFC0];
	_ =	sdelay $0x4  }
0x1b2: {  	v63 =	vshrl.u32 v3, $0x3  }
0x1b3: {  	v4 =	vmul.u32 $0x30, v63  }
0x1b4: {  	v3 =	vand.u32 $0x7, v3  }
0x1b5: {  	v3 =	vor.u32 v3, v4  }
0x1b6: {  	v4 =	vperm.xlane v3, v0;
	_ =	sdelay $0x1  }
0x1b7: {  	v4 =	vadd.s32 v1, v4;
	_ =	sdelay $0x3  }
0x1b8: {  	v3 =	vperm.xlane v3, v2  }
0x1b9: {  	[tilespmem:s31], [sflag:$0x8] =	stream.indirect_vreg.gather [hbm4b:s1+s3], $0x80, v4, vm0, $0xb8;
	[tilespmem:$0x18400] =	vst v63  }
0x1ba: {  	s18 =	simm.s32 $0x15C00;
	v3 =	vadd.s32 v1, v3  }
0x1bb: {  	[tilespmem:s18], [sflag:$0x8] =	stream.indirect_vreg.gather [hbm4b:s5+s3], $0x80, v4, vm0, $0xb8;
	[tilespmem:$0x18400] =	vst v63  }
0x1bc: {  	s18 =	simm.s32 $0x16400  }
0x1bd: {  	[tilespmem:s18], [sflag:$0x8] =	stream.indirect_vreg.gather [hbm4b:s6+s3], $0x80, v4, vm0, $0xb8;
	[tilespmem:$0x18400] =	vst v63  }
0x1be: {  	s18 =	simm.s32 $0x16C00  }
0x1bf: {  	[tilespmem:s18], [sflag:$0x8] =	stream.indirect_vreg.gather [hbm4b:s1+s3], $0x80, v3, vm0, $0xb8;
	[tilespmem:$0x18400] =	vst v63  }
0x1c0: {  	s18 =	simm.s32 $0x17400  }
0x1c1: {  	[tilespmem:s18], [sflag:$0x8] =	stream.indirect_vreg.gather [hbm4b:s5+s3], $0x80, v3, vm0, $0xb8;
	[tilespmem:$0x18400] =	vst v63  }
0x1c2: {  	s18 =	simm.s32 $0x17C00  }
0x1c3: {  	[tilespmem:s18], [sflag:$0x8] =	stream.indirect_vreg.gather [hbm4b:s6+s3], $0x80, v3, vm0, $0xb8;
	[tilespmem:$0x18400] =	vst v63  }
0x1c4: {  	_ =	swait.ge [sflag:s13], $0x3000  }
0x1c5: {  	[sflag:s13] =	ssyncset.done $0x0;
	s18 =	rddreg [dreg:$0x15]  }
0x1c6: {  	p0 =	seq.s32 s16, $0x12000;
	[sflag:s13] =	ssyncadd.s32 $0xFFFFD000;
	s17 =	sadd.s32 s16, s18  }
0x1c7: {  	[hbm4b:s17+s3] =	stream.linear.scatter [tilespmem:s9], [sflag:$0xD], $0x3000, $0x38;
	[tilespmem:$0x18400] =	vst v63  }
0x1c8: {  	s17 =	simm.s32 @!p0 $0x9  }
0x1c9: {  	_ =	swait.ge @!p0 [sflag:s17], $0x3000  }
0x1ca: {  	[sflag:s17] =	ssyncset.done @!p0 $0x0  }
0x1cb: {  	[sflag:s17] =	ssyncadd.s32 @!p0 $0xFFFFD000  }
0x1cc: {  	v3 =	vld @!p0 [tilespmem:s12+$0xFFFFFFD0];
	_ =	sdelay $0x4  }
0x1cd: {  	v4 =	vshrl.u32 @!p0 v3, $0x3  }
0x1ce: {  	v4 =	vmul.u32 @!p0 $0x30, v4  }
0x1cf: {  	v5 =	vlaneseq.u32 @!p0;
	v3 =	vand.u32 @!p0 $0x7, v3  }
0x1d0: {  	v6 =	vshrl.u32 @!p0 v5, $0x3;
	v3 =	vor.u32 @!p0 v3, v4;
	v4 =	vand.u32 @!p0 $0x7, v5  }
0x1d1: {  	v6 =	vmul.u32 @!p0 $0x8, v6;
	v7 =	vperm.xlane @!p0 v3, v4;
	_ =	sdelay $0x1  }
0x1d2: {  	v7 =	vadd.s32 @!p0 v6, v7;
	_ =	sdelay $0x2  }
0x1d3: {  	v5 =	vor.u32 @!p0 $0x8, v5  }
0x1d4: {  	vm1 =	vmmov @!p0 $0xffff;
	s18 =	simm.s32 @!p0 $0x400;
	s17 =	simm.s32 @!p0 $0x0;
	v3 =	vperm.xlane @!p0 v3, v5  }
0x1d5: {  	[tilespmem:s18], [sflag:$0x1] =	stream.indirect_vreg.gather @!p0 [hbm4b:s1+s17], $0x80, v7, vm1, $0xb8;
	[tilespmem:$0x18400] =	vst v63  }
0x1d6: {  	v3 =	vadd.s32 @!p0 v6, v3;
	s18 =	simm.s32 @!p0 $0xC00  }
0x1d7: {  	[tilespmem:s18], [sflag:$0x1] =	stream.indirect_vreg.gather @!p0 [hbm4b:s5+s17], $0x80, v7, vm1, $0xb8;
	[tilespmem:$0x18400] =	vst v63  }
0x1d8: {  	s18 =	simm.s32 @!p0 $0x1400  }
0x1d9: {  	[tilespmem:s18], [sflag:$0x1] =	stream.indirect_vreg.gather @!p0 [hbm4b:s6+s17], $0x80, v7, vm1, $0xb8;
	[tilespmem:$0x18400] =	vst v63  }
0x1da: {  	s18 =	simm.s32 @!p0 $0x1C00  }
0x1db: {  	[tilespmem:s18], [sflag:$0x1] =	stream.indirect_vreg.gather @!p0 [hbm4b:s1+s17], $0x80, v3, vm1, $0xb8;
	[tilespmem:$0x18400] =	vst v63  }
0x1dc: {  	s18 =	simm.s32 @!p0 $0x2400  }
0x1dd: {  	[tilespmem:s18], [sflag:$0x1] =	stream.indirect_vreg.gather @!p0 [hbm4b:s5+s17], $0x80, v3, vm1, $0xb8;
	[tilespmem:$0x18400] =	vst v63  }
0x1de: {  	s18 =	simm.s32 @!p0 $0x2C00  }
0x1df: {  	[tilespmem:s18], [sflag:$0x1] =	stream.indirect_vreg.gather @!p0 [hbm4b:s6+s17], $0x80, v3, vm1, $0xb8;
	[tilespmem:$0x18400] =	vst v63  }
0x1e0: {  	_ =	swait.ge [sflag:s14], $0x3000  }
0x1e1: {  	[sflag:s14] =	ssyncset.done $0x0;
	s18 =	rddreg [dreg:$0x10]  }
0x1e2: {  	[sflag:s14] =	ssyncadd.s32 $0xFFFFD000;
	s18 =	sadd.s32 s16, s18  }
0x1e3: {  	[hbm4b:s18+s3] =	stream.linear.scatter [tilespmem:s7], [sflag:$0xE], $0x3000, $0x38;
	[tilespmem:$0x18400] =	vst v63  }
0x1e4: {  	s18 =	simm.s32 @!p0 $0xA  }
0x1e5: {  	_ =	swait.ge @!p0 [sflag:s18], $0x3000  }
0x1e6: {  	[sflag:s18] =	ssyncset.done @!p0 $0x0  }
0x1e7: {  	[sflag:s18] =	ssyncadd.s32 @!p0 $0xFFFFD000  }
0x1e8: {  	v3 =	vld @!p0 [tilespmem:s12+$0xFFFFFFE0];
	_ =	sdelay $0x4  }
0x1e9: {  	v7 =	vshrl.u32 @!p0 v3, $0x3  }
0x1ea: {  	v7 =	vmul.u32 @!p0 $0x30, v7  }
0x1eb: {  	v3 =	vand.u32 @!p0 $0x7, v3  }
0x1ec: {  	v3 =	vor.u32 @!p0 v3, v7  }
0x1ed: {  	v7 =	vperm.xlane @!p0 v3, v4;
	_ =	sdelay $0x1  }
0x1ee: {  	v7 =	vadd.s32 @!p0 v6, v7;
	_ =	sdelay $0x3  }
0x1ef: {  	s18 =	simm.s32 @!p0 $0x3400;
	v3 =	vperm.xlane @!p0 v3, v5  }
0x1f0: {  	[tilespmem:s18], [sflag:$0x2] =	stream.indirect_vreg.gather @!p0 [hbm4b:s1+s17], $0x80, v7, vm1, $0xb8;
	[tilespmem:$0x18400] =	vst v63  }
0x1f1: {  	v3 =	vadd.s32 @!p0 v6, v3;
	s18 =	simm.s32 @!p0 $0x3C00  }
0x1f2: {  	[tilespmem:s18], [sflag:$0x2] =	stream.indirect_vreg.gather @!p0 [hbm4b:s5+s17], $0x80, v7, vm1, $0xb8;
	[tilespmem:$0x18400] =	vst v63  }
0x1f3: {  	s18 =	simm.s32 @!p0 $0x4400  }
0x1f4: {  	[tilespmem:s18], [sflag:$0x2] =	stream.indirect_vreg.gather @!p0 [hbm4b:s6+s17], $0x80, v7, vm1, $0xb8;
	[tilespmem:$0x18400] =	vst v63  }
0x1f5: {  	s18 =	simm.s32 @!p0 $0x4C00  }
0x1f6: {  	[tilespmem:s18], [sflag:$0x2] =	stream.indirect_vreg.gather @!p0 [hbm4b:s1+s17], $0x80, v3, vm1, $0xb8;
	[tilespmem:$0x18400] =	vst v63  }
0x1f7: {  	s18 =	simm.s32 @!p0 $0x5400  }
0x1f8: {  	[tilespmem:s18], [sflag:$0x2] =	stream.indirect_vreg.gather @!p0 [hbm4b:s5+s17], $0x80, v3, vm1, $0xb8;
	[tilespmem:$0x18400] =	vst v63  }
0x1f9: {  	s18 =	simm.s32 @!p0 $0x5C00  }
0x1fa: {  	[tilespmem:s18], [sflag:$0x2] =	stream.indirect_vreg.gather @!p0 [hbm4b:s6+s17], $0x80, v3, vm1, $0xb8;
	[tilespmem:$0x18400] =	vst v63  }
0x1fb: {  	_ =	swait.ge [sflag:s15], $0x3000  }
0x1fc: {  	[sflag:s15] =	ssyncset.done $0x0;
	s18 =	rddreg [dreg:$0xf]  }
0x1fd: {  	[sflag:s15] =	ssyncadd.s32 $0xFFFFD000;
	s18 =	sadd.s32 s16, s18  }
0x1fe: {  	[hbm4b:s18+s3] =	stream.linear.scatter [tilespmem:s10], [sflag:$0xF], $0x3000, $0x38;
	[tilespmem:$0x18400] =	vst v63  }
0x1ff: {  	s18 =	simm.s32 @!p0 $0xB  }
0x200: {  	_ =	swait.ge @!p0 [sflag:s18], $0x3000  }
0x201: {  	[sflag:s18] =	ssyncset.done @!p0 $0x0  }
0x202: {  	[sflag:s18] =	ssyncadd.s32 @!p0 $0xFFFFD000  }
0x203: {  	v3 =	vld @!p0 [tilespmem:s12+$0xFFFFFFF0];
	_ =	sdelay $0x4  }
0x204: {  	v7 =	vshrl.u32 @!p0 v3, $0x3  }
0x205: {  	v7 =	vmul.u32 @!p0 $0x30, v7  }
0x206: {  	v3 =	vand.u32 @!p0 $0x7, v3  }
0x207: {  	v3 =	vor.u32 @!p0 v3, v7  }
0x208: {  	v4 =	vperm.xlane @!p0 v3, v4;
	_ =	sdelay $0x1  }
0x209: {  	v4 =	vadd.s32 @!p0 v6, v4;
	_ =	sdelay $0x3  }
0x20a: {  	s18 =	simm.s32 @!p0 $0x6400;
	v3 =	vperm.xlane @!p0 v3, v5  }
0x20b: {  	[tilespmem:s18], [sflag:$0x3] =	stream.indirect_vreg.gather @!p0 [hbm4b:s1+s17], $0x80, v4, vm1, $0xb8;
	[tilespmem:$0x18400] =	vst v63  }
0x20c: {  	v3 =	vadd.s32 @!p0 v6, v3;
	s18 =	simm.s32 @!p0 $0x6C00  }
0x20d: {  	[tilespmem:s18], [sflag:$0x3] =	stream.indirect_vreg.gather @!p0 [hbm4b:s5+s17], $0x80, v4, vm1, $0xb8;
	[tilespmem:$0x18400] =	vst v63  }
0x20e: {  	s18 =	simm.s32 @!p0 $0x7400  }
0x20f: {  	[tilespmem:s18], [sflag:$0x3] =	stream.indirect_vreg.gather @!p0 [hbm4b:s6+s17], $0x80, v4, vm1, $0xb8;
	[tilespmem:$0x18400] =	vst v63  }
0x210: {  	s18 =	simm.s32 @!p0 $0x7C00  }
0x211: {  	[tilespmem:s18], [sflag:$0x3] =	stream.indirect_vreg.gather @!p0 [hbm4b:s1+s17], $0x80, v3, vm1, $0xb8;
	[tilespmem:$0x18400] =	vst v63  }
0x212: {  	s18 =	simm.s32 @!p0 $0x8400  }
0x213: {  	[tilespmem:s18], [sflag:$0x3] =	stream.indirect_vreg.gather @!p0 [hbm4b:s5+s17], $0x80, v3, vm1, $0xb8;
	[tilespmem:$0x18400] =	vst v63  }
0x214: {  	s18 =	simm.s32 @!p0 $0x8C00  }
0x215: {  	[tilespmem:s18], [sflag:$0x3] =	stream.indirect_vreg.gather @!p0 [hbm4b:s6+s17], $0x80, v3, vm1, $0xb8;
	[tilespmem:$0x18400] =	vst v63  }
.Ltmp2:
0x216: {  	_ = 	snop;
	(pc) =	sbr.rel @p0 .LBB2_4-.Ltmp2, $4  }
0x217: {  	_ =	swait.ge [sflag:s28], $0x3000  }
0x218: {  	[sflag:s28] =	ssyncset.done $0x0;
	s18 =	rddreg [dreg:$0xe]  }
0x219: {  	[sflag:s28] =	ssyncadd.s32 $0xFFFFD000;
	s17 =	sadd.s32 s16, s18  }
0x21a: {  	[hbm4b:s17+s3] =	stream.linear.scatter [tilespmem:s31], [sflag:$0x10], $0x3000, $0x38;
	[tilespmem:$0x18400] =	vst v63  }
0x21b: {  	_ =	swait.ge [sflag:s11], $0x3000  }
0x21c: {  	[sflag:s11] =	ssyncset.done $0x0  }
0x21d: {  	[sflag:s11] =	ssyncadd.s32 $0xFFFFD000  }
0x21e: {  	v3 =	vld [tilespmem:s12+$0x0];
	_ =	sdelay $0x4  }
0x21f: {  	v4 =	vshrl.u32 v3, $0x3  }
0x220: {  	v4 =	vmul.u32 $0x30, v4  }
0x221: {  	v3 =	vand.u32 $0x7, v3  }
0x222: {  	v3 =	vor.u32 v3, v4  }
0x223: {  	v4 =	vperm.xlane v3, v0;
	_ =	sdelay $0x1  }
0x224: {  	v4 =	vadd.s32 v1, v4;
	_ =	sdelay $0x3  }
0x225: {  	v3 =	vperm.xlane v3, v2  }
0x226: {  	[tilespmem:s20], [sflag:$0x4] =	stream.indirect_vreg.gather [hbm4b:s1+s3], $0x80, v4, vm0, $0xb8;
	[tilespmem:$0x18400] =	vst v63  }
0x227: {  	v3 =	vadd.s32 v1, v3  }
0x228: {  	[tilespmem:s21], [sflag:$0x4] =	stream.indirect_vreg.gather [hbm4b:s5+s3], $0x80, v4, vm0, $0xb8;
	[tilespmem:$0x18400] =	vst v63  }
0x229: {  	_ = 	snop  }
0x22a: {  	[tilespmem:s22], [sflag:$0x4] =	stream.indirect_vreg.gather [hbm4b:s6+s3], $0x80, v4, vm0, $0xb8;
	[tilespmem:$0x18400] =	vst v63  }
0x22b: {  	_ = 	snop  }
0x22c: {  	[tilespmem:s23], [sflag:$0x4] =	stream.indirect_vreg.gather [hbm4b:s1+s3], $0x80, v3, vm0, $0xb8;
	[tilespmem:$0x18400] =	vst v63  }
.Ltmp3:
0x22d: {  	_ = 	snop;
	(pc) =	sbr.rel .LBB2_2-.Ltmp3, $4  }
0x22e: {  	_ = 	snop  }
0x22f: {  	[tilespmem:s19], [sflag:$0x4] =	stream.indirect_vreg.gather [hbm4b:s5+s3], $0x80, v3, vm0, $0xb8;
	[tilespmem:$0x18400] =	vst v63  }
0x230: {  	s16 =	sadd.s32 $0x3000, s16;
	s12 =	sadd.s32 $0x80, s12  }
0x231: {  	[tilespmem:s30], [sflag:$0x4] =	stream.indirect_vreg.gather [hbm4b:s6+s3], $0x80, v3, vm0, $0xb8;
	[tilespmem:$0x18400] =	vst v63  }
.LBB2_5:
0x232: {  	_ =	sfence.sel $0x180000  }
0x233: {  	[bflag:$0x0] =	sbarrier.arrive $0xFFFF  }
0x234: {  	_ =	strace $0x90000047  }
0x235: {  	s0 =	stileid.u32;
	[bflag:$0x2] =	sbarrier.arrive $0xFFFF  }
0x236: {  	p0 =	sne.s32 s0, $0x0;
	s0 =	rddreg [dreg:$0x3]  }
0x237: {  	s0 =	sadd.s32 @!p0 $0x100000, s0  }
0x238: {  	[sflag:s0] =	ssyncadd.tile.s32 @!p0 $0x1;
	_ =	shalt  }
.Lfunc_end2:
_tile_overlayer_lowered:
.L_overlay_start_2:
0x239: {  	(tag) =	ssettag $0x2  }
0x23a: {  	s0 =	rddreg [dreg:$0x0];
	s2 =	stileid.u32  }
0x23b: {  	s1 =	rddreg [dreg:$0x1];
	p0 =	sne.s32 s2, $0x0  }
0x23c: {  	s3 =	rddreg [dreg:$0x2];
	[bflag:$0x3] =	sbarrier.arrive $0xFFFF;
	s2 =	simm.s32 @!p0 $0x1C11  }
0x23d: {  	[timem:s3], [sflag:s2] =	dma.local @!p0 [hbm:s0], s1  }
0x23e: {  	s0 =	simm.s32 @!p0 $0x11  }
0x23f: {  	_ =	swait.ge @!p0 [sflag:s0], s1  }
0x240: {  	s1 =	ssub.s32 @!p0 $0x0, s1;
	[sflag:s0] =	ssyncset.done @!p0 $0x0  }
0x241: {  	[sflag:s0] =	ssyncadd.s32 @!p0 s1  }
0x242: {  	[bflag:$0x3] =	sbarrier.arrive $0xFFFF  }
0x243: {  	_ =	shalt  }

</sc_bundles>
